<compile_context>
chip_gen: v7x
topology: tpu7x:2x2x1
jax: 0.10.2.dev20260603
libtpu: 0.0.44.dev20260713+nightly
codegen_flags: <defaults>
</compile_context>

<pallas_src>
import functools

import jax
import jax.numpy as jnp
from jax.experimental import pallas as pl
from jax.experimental.pallas import tpu as pltpu

NB = 4
NPT = 8192
NSMP = 1024
NROW, NCOL = 8, 1024
RADII2 = (0.2 * 0.2, 0.4 * 0.4)
NNBR = (16, 32)
CPRE = 32



PROW, PCOL = 8, 128


def _fps_body(xs_ref, ys_ref, zs_ref, out_ref):
    row = jax.lax.broadcasted_iota(jnp.int32, (NROW, NCOL), 0)
    col = jax.lax.broadcasted_iota(jnp.int32, (NROW, NCOL), 1)
    flat_idx = row * NCOL + col
    prow = jax.lax.broadcasted_iota(jnp.int32, (PROW, PCOL), 0)
    pcol = jax.lax.broadcasted_iota(jnp.int32, (PROW, PCOL), 1)

    def step(i, carry):
        coords, dists, planes = carry
        pm = (prow == i // PCOL) & (pcol == i % PCOL)
        new_coords, new_dists, new_planes = [], [], []
        for b in range(NB):
            cx, cy, cz = coords[b]
            x = xs_ref[b]
            y = ys_ref[b]
            z = zs_ref[b]
            dx = x - cx
            dy = y - cy
            dz = z - cz
            d = dx * dx + dy * dy + dz * dz
            nd = jnp.minimum(dists[b], d)
            px, py, pz = planes[b]
            new_planes.append((jnp.where(pm, cx, px),
                               jnp.where(pm, cy, py),
                               jnp.where(pm, cz, pz)))
            m = jnp.max(nd, axis=(0, 1), keepdims=True)
            far_new = jnp.min(jnp.where(nd == m, flat_idx, NPT),
                              axis=(0, 1), keepdims=True)
            eq = flat_idx == far_new
            zero = jnp.float32(0)
            new_coords.append((
                jnp.sum(jnp.where(eq, x, zero), axis=(0, 1), keepdims=True),
                jnp.sum(jnp.where(eq, y, zero), axis=(0, 1), keepdims=True),
                jnp.sum(jnp.where(eq, z, zero), axis=(0, 1), keepdims=True)))
            new_dists.append(nd)
        return tuple(new_coords), tuple(new_dists), tuple(new_planes)

    coords0 = tuple((xs_ref[b, pl.ds(0, 1), pl.ds(0, 1)],
                     ys_ref[b, pl.ds(0, 1), pl.ds(0, 1)],
                     zs_ref[b, pl.ds(0, 1), pl.ds(0, 1)])
                    for b in range(NB))
    dists0 = tuple(jnp.full((NROW, NCOL), 1e10, jnp.float32) for _ in range(NB))
    zplane = jnp.zeros((PROW, PCOL), jnp.float32)
    planes0 = tuple((zplane, zplane, zplane) for _ in range(NB))
    _, _, planes = jax.lax.fori_loop(0, NSMP, step, (coords0, dists0, planes0))
    for b in range(NB):
        for c in range(3):
            out_ref[b, c] = planes[b][c]


def _fps_call(xs, ys, zs):
    out = pl.pallas_call(
        _fps_body,
        out_shape=jax.ShapeDtypeStruct((NB, 3, PROW, PCOL), jnp.float32),
    )(xs, ys, zs)
    return out.reshape(NB, 3, NSMP)



CROW = 128


def _pre_body(pts_ref, feat_ref, w0_ref, w1_ref, pre_ref):
    p = pts_ref[0]
    f = feat_ref[0]
    h = jnp.concatenate([p, f], axis=1)
    pre0 = jax.lax.dot_general(h, w0_ref[...], (((1,), (1,)), ((), ())),
                               preferred_element_type=jnp.float32)
    pre1 = jax.lax.dot_general(h, w1_ref[...], (((1,), (1,)), ((), ())),
                               preferred_element_type=jnp.float32)
    pre_ref[0, :, 0:CPRE] = pre0
    pre_ref[0, :, CPRE:2 * CPRE] = pre1


def _pre_call(points, feats_t, w0, w1):
    return pl.pallas_call(
        _pre_body,
        grid=(NB,),
        in_specs=[
            pl.BlockSpec((1, NPT, 3), lambda b: (b, 0, 0)),
            pl.BlockSpec((1, NPT, 16), lambda b: (b, 0, 0)),
            pl.BlockSpec((CPRE, 19), lambda b: (0, 0)),
            pl.BlockSpec((CPRE, 19), lambda b: (0, 0)),
        ],
        out_specs=pl.BlockSpec((1, NPT, CROW), lambda b: (b, 0, 0)),
        out_shape=jax.ShapeDtypeStruct((NB, NPT, CROW), jnp.float32),
    )(points, feats_t, w0, w1)



KBLK = 256


def _mlp_body(g0_ref, g1_ref, s_ref,
              w00_ref, b00_ref, w01_ref, b01_ref, w02_ref, b02_ref,
              w10_ref, b10_ref, w11_ref, b11_ref, w12_ref, b12_ref,
              wagg_ref, bagg_ref, out_ref):
    c3 = s_ref[0]
    accs = []
    scale_refs = (
        (g0_ref, NNBR[0], w00_ref, b00_ref, w01_ref, b01_ref, w02_ref, b02_ref),
        (g1_ref, NNBR[1], w10_ref, b10_ref, w11_ref, b11_ref, w12_ref, b12_ref),
    )
    for si, (g_ref, nn, w0_ref, b0_ref, w1_ref, b1_ref, w2_ref, b2_ref) \
            in enumerate(scale_refs):
        g = g_ref[0][:, :, si * CPRE:(si + 1) * CPRE]
        wx = w0_ref[...][:, :3]
        ct = jax.lax.dot_general(
            c3, wx, (((0,), (1,)), ((), ())),
            preferred_element_type=jnp.float32)
        bct = b0_ref[...] - ct
        h1 = jnp.maximum(g + bct[:, None, :], 0.0)
        h1f = h1.reshape(KBLK * nn, CPRE)
        h2 = jnp.maximum(
            jax.lax.dot_general(h1f, w1_ref[...], (((1,), (1,)), ((), ())),
                                preferred_element_type=jnp.float32)
            + b1_ref[...], 0.0)
        h3 = jnp.maximum(
            jax.lax.dot_general(h2, w2_ref[...], (((1,), (1,)), ((), ())),
                                preferred_element_type=jnp.float32)
            + b2_ref[...], 0.0)
        accs.append(jnp.max(h3.reshape(KBLK, nn, 64), axis=1))
    cat = jnp.concatenate(accs, axis=1)
    out = jnp.maximum(
        jax.lax.dot_general(cat, wagg_ref[...], (((1,), (1,)), ((), ())),
                            preferred_element_type=jnp.float32)
        + bagg_ref[...], 0.0)
    out_ref[0] = out


def _mlp_call(g0, g1, sxyz, w00, b00, w01, b01, w02, b02,
              w10, b10, w11, b11, w12, b12, wagg, bagg):
    full = lambda shape: pl.BlockSpec(shape, lambda b, kb: tuple(0 for _ in shape))
    return pl.pallas_call(
        _mlp_body,
        grid=(NB, NSMP // KBLK),
        in_specs=[
            pl.BlockSpec((1, KBLK, NNBR[0], CROW), lambda b, kb: (b, kb, 0, 0)),
            pl.BlockSpec((1, KBLK, NNBR[1], CROW), lambda b, kb: (b, kb, 0, 0)),
            pl.BlockSpec((1, 3, KBLK), lambda b, kb: (b, 0, kb)),
            full((32, 19)), full((1, 32)),
            full((32, 32)), full((1, 32)),
            full((64, 32)), full((1, 64)),
            full((32, 19)), full((1, 32)),
            full((32, 32)), full((1, 32)),
            full((64, 32)), full((1, 64)),
            full((64, 128)), full((1, 64)),
        ],
        out_specs=pl.BlockSpec((1, KBLK, 64), lambda b, kb: (b, kb, 0)),
        out_shape=jax.ShapeDtypeStruct((NB, NSMP, 64), jnp.float32),
    )(g0, g1, sxyz, w00, b00, w01, b01, w02, b02,
      w10, b10, w11, b11, w12, b12, wagg, bagg)



from jax import lax
from jax.experimental.pallas import tpu_sc as plsc

NTILES = 32
KPT = NB * NSMP // NTILES
NCHUNK = NPT // 16


def _bcast_lane(v, lane):
    idx = jnp.full((16, 1), lane, jnp.int32)
    return lax.gather(
        v, idx,
        lax.GatherDimensionNumbers(offset_dims=(), collapsed_slice_dims=(0,),
                                   start_index_map=(0,)),
        (1,), mode=lax.GatherScatterMode.PROMISE_IN_BOUNDS)


def _sc_ballq_gather(sx, sy, sz, xs, ys, zs, pre):
    mesh = plsc.VectorSubcoreMesh(core_axis_name="c", subcore_axis_name="s")

    @functools.partial(
        pl.kernel, mesh=mesh,
        out_type=[
            jax.ShapeDtypeStruct((NB * NSMP * NNBR[0], CROW), jnp.float32),
            jax.ShapeDtypeStruct((NB * NSMP * NNBR[1], CROW), jnp.float32),
        ],
        compiler_params=pltpu.CompilerParams(needs_layout_passes=False),
        scratch_types=[
            pltpu.VMEM((NPT,), jnp.float32),
            pltpu.VMEM((NPT,), jnp.float32),
            pltpu.VMEM((NPT,), jnp.float32),
            pltpu.VMEM((KPT,), jnp.float32),
            pltpu.VMEM((KPT,), jnp.float32),
            pltpu.VMEM((KPT,), jnp.float32),
            pltpu.VMEM((64,), jnp.int32),
            pltpu.VMEM((KPT * NNBR[0] // 128, 128), jnp.int32),
            pltpu.VMEM((KPT * NNBR[1] // 128, 128), jnp.int32),
            pltpu.VMEM((128, CROW), jnp.float32),
            pltpu.SemaphoreType.DMA,
        ],
    )
    def k(sx_h, sy_h, sz_h, xs_h, ys_h, zs_h, pre_h, g0_h, g1_h,
          xs_v, ys_v, zs_v, sx_v, sy_v, sz_v, tmp_v, idx0_v, idx1_v,
          rows_v, sem):
        wid = lax.axis_index("s") * 2 + lax.axis_index("c")
        base_k = pl.multiple_of(wid * KPT, KPT)
        b = wid // (NTILES // NB)
        gbase = pl.multiple_of(b * NPT, NPT)
        pltpu.sync_copy(xs_h.at[pl.ds(gbase, NPT)], xs_v)
        pltpu.sync_copy(ys_h.at[pl.ds(gbase, NPT)], ys_v)
        pltpu.sync_copy(zs_h.at[pl.ds(gbase, NPT)], zs_v)
        pltpu.sync_copy(sx_h.at[pl.ds(base_k, KPT)], sx_v)
        pltpu.sync_copy(sy_h.at[pl.ds(base_k, KPT)], sy_v)
        pltpu.sync_copy(sz_h.at[pl.ds(base_k, KPT)], sz_v)

        iota16 = lax.iota(jnp.int32, 16)

        def scan_centroid(kk, r2, nn, out_idx_v):
            chunk = kk // 16
            lane = kk - chunk * 16
            cxb = _bcast_lane(sx_v[pl.ds(chunk * 16, 16)], lane)
            cyb = _bcast_lane(sy_v[pl.ds(chunk * 16, 16)], lane)
            czb = _bcast_lane(sz_v[pl.ds(chunk * 16, 16)], lane)

            def cond(st):
                j, cur = st
                return jnp.logical_and(cur < nn, j < NCHUNK)

            def body(st):
                j, cur = st
                off = j * 16
                px = xs_v[pl.ds(off, 16)]
                py = ys_v[pl.ds(off, 16)]
                pz = zs_v[pl.ds(off, 16)]
                dx = px - cxb
                dy = py - cyb
                dz = pz - czb
                d2 = dx * dx + dy * dy + dz * dz
                msk = d2 < r2
                plsc.store_compressed(tmp_v.at[pl.ds(cur, 16)],
                                      iota16 + (off + gbase), mask=msk)
                cnt = plsc.all_reduce_population_count(msk)
                return j + 1, cur + cnt[0]

            _, total = lax.while_loop(cond, body, (jnp.int32(0), jnp.int32(0)))

            s0 = tmp_v[pl.ds(0, 16)]
            firstv = _bcast_lane(s0, 0)
            out0 = jnp.where(iota16 < total, s0, firstv)
            flat = kk * nn
            row = flat // 128
            col = flat - row * 128
            out_idx_v[row, pl.ds(col, 16)] = out0
            if nn > 16:
                s1 = tmp_v[pl.ds(16, 16)]
                out1 = jnp.where(iota16 + 16 < total, s1, firstv)
                out_idx_v[row, pl.ds(col + 16, 16)] = out1

        def scan_all(kk, _):
            scan_centroid(kk, RADII2[0], NNBR[0], idx0_v)
            scan_centroid(kk, RADII2[1], NNBR[1], idx1_v)
            return 0

        lax.fori_loop(0, KPT, scan_all, 0)

        def gather_chunks(idx_v, g_h, nn):
            nchunks = KPT * nn // 128

            def one(c, _):
                pltpu.async_copy(pre_h.at[idx_v.at[c]], rows_v, sem).wait()
                row0 = base_k * nn + c * 128
                pltpu.sync_copy(rows_v, g_h.at[pl.ds(row0, 128)])
                return 0

            lax.fori_loop(0, nchunks, one, 0)

        gather_chunks(idx0_v, g0_h, NNBR[0])
        gather_chunks(idx1_v, g1_h, NNBR[1])

    return k(sx, sy, sz, xs, ys, zs, pre)



def _bq_jnp(sampled, points, radius, nn):
    n = points.shape[1]
    d2 = jnp.sum((sampled[:, :, None, :] - points[:, None, :, :]) ** 2, axis=-1)
    mask = d2 < radius
    idx = jnp.where(mask, jnp.arange(n, dtype=jnp.int32)[None, None, :], n)
    idx = jnp.sort(idx, axis=-1)[:, :, :nn]
    first = idx[:, :, :1]
    idx = jnp.where(idx == n, first, idx)
    return jnp.minimum(idx, n - 1)



def kernel(points, features, w0_0, b0_0, w0_1, b0_1, w0_2, b0_2,
           w1_0, b1_0, w1_1, b1_1, w1_2, b1_2, w_agg, b_agg):
    pts_r = points.transpose(0, 2, 1).reshape(NB, 3, NROW, NCOL)
    xs, ys, zs = pts_r[:, 0], pts_r[:, 1], pts_r[:, 2]
    sxyz = _fps_call(xs, ys, zs)
    sampled = sxyz.transpose(0, 2, 1)

    feats_t = features.transpose(0, 2, 1)
    pre = _pre_call(points, feats_t, w0_0, w1_0)

    g0, g1 = _sc_ballq_gather(
        sxyz[:, 0, :].reshape(-1), sxyz[:, 1, :].reshape(-1),
        sxyz[:, 2, :].reshape(-1),
        xs.reshape(-1), ys.reshape(-1), zs.reshape(-1),
        pre.reshape(NB * NPT, CROW))
    g0 = g0.reshape(NB, NSMP, NNBR[0], CROW)
    g1 = g1.reshape(NB, NSMP, NNBR[1], CROW)

    feats_out = _mlp_call(
        g0, g1, sxyz,
        w0_0, b0_0.reshape(1, -1), w0_1, b0_1.reshape(1, -1),
        w0_2, b0_2.reshape(1, -1),
        w1_0, b1_0.reshape(1, -1), w1_1, b1_1.reshape(1, -1),
        w1_2, b1_2.reshape(1, -1),
        w_agg, b_agg.reshape(1, -1))
    return sampled, feats_out.transpose(0, 2, 1)

# --- scband reference (transcript-rebuilt; emitter-appended) ---
"""Pipeline reference for scband-point-net2-samsg-27608049778807 (READ-ONLY COPY).

The authoritative reference and input builder live on the scoring server;
editing this copy changes nothing except your own understanding.
"""

import jax, jax.numpy as jnp
import numpy as np

NUM_POINTS = 1024
RADII = (0.2, 0.4)
NUM_NEIGHBORS = (16, 32)
MLPS = ((32, 32, 64), (32, 32, 64))
IN_CHANNELS = 16
AGG_CHANNELS = 64


def setup_inputs(seed: int = 0) -> dict:
    key = jax.random.key(seed)
    ks = jax.random.split(key, 20)
    points = jax.random.uniform(ks[0], (4, 8192, 3), dtype=jnp.float32)
    features = jax.random.normal(ks[1], (4, 16, 8192), dtype=jnp.float32)
    inp = {"points": points, "features": features}
    kidx = 2
    for s, chans in enumerate(MLPS):
        prev = IN_CHANNELS + 3
        for l, c in enumerate(chans):
            inp[f"w{s}_{l}"] = jax.random.normal(ks[kidx], (c, prev), dtype=jnp.float32) * 0.05
            kidx += 1
            inp[f"b{s}_{l}"] = jnp.zeros((c,), dtype=jnp.float32)
            prev = c
    total = sum(ch[-1] for ch in MLPS)
    inp["w_agg"] = jax.random.normal(ks[kidx], (AGG_CHANNELS, total), dtype=jnp.float32) * 0.05
    inp["b_agg"] = jnp.zeros((AGG_CHANNELS,), dtype=jnp.float32)
    return inp


def fps(points, K):
    # farthest point sampling (d-fps)
    B, N, _ = points.shape

    def body(i, state):
        idxs, dists, farthest = state
        idxs = idxs.at[:, i].set(farthest)
        centroid = jnp.take_along_axis(points, farthest[:, None, None].astype(jnp.int32).repeat(3, axis=2), axis=1)
        d = jnp.sum((points - centroid) ** 2, axis=-1)
        dists = jnp.minimum(dists, d)
        farthest = jnp.argmax(dists, axis=1).astype(jnp.int32)
        return idxs, dists, farthest

    idxs0 = jnp.zeros((B, K), dtype=jnp.int32)
    dists0 = jnp.full((B, N), 1e10, dtype=points.dtype)
    far0 = jnp.zeros((B,), dtype=jnp.int32)
    idxs, _, _ = jax.lax.fori_loop(0, K, body, (idxs0, dists0, far0))
    return idxs


def ball_query(sampled, points, radius, nn):
    # indices of first nn points within radius of each centroid
    N = points.shape[1]
    d2 = jnp.sum((sampled[:, :, None, :] - points[:, None, :, :]) ** 2, axis=-1)
    mask = d2 < radius ** 2
    idx = jnp.where(mask, jnp.arange(N, dtype=jnp.int32)[None, None, :], N)
    idx = jnp.sort(idx, axis=-1)[:, :, :nn]
    first = idx[:, :, :1]
    idx = jnp.where(idx == N, first, idx)
    idx = jnp.minimum(idx, N - 1)
    return idx


def reference(points, features, w0_0, b0_0, w0_1, b0_1, w0_2, b0_2, w1_0, b1_0, w1_1, b1_1, w1_2, b1_2, w_agg, b_agg):
    idxs = fps(points, NUM_POINTS)
    sampled = jnp.take_along_axis(points, idxs[:, :, None].repeat(3, axis=2), axis=1)
    feats_t = jnp.transpose(features, (0, 2, 1))  # [B, N, C]
    B = points.shape[0]
    bidx = jnp.arange(B)[:, None, None]
    scale_ws = (((w0_0, b0_0), (w0_1, b0_1), (w0_2, b0_2)),
                ((w1_0, b1_0), (w1_1, b1_1), (w1_2, b1_2)))
    outs = []
    for r, nn, ws in zip(RADII, NUM_NEIGHBORS, scale_ws):
        idx = ball_query(sampled, points, r, nn)  # [B, K, nn]
        gx = points[bidx, idx] - sampled[:, :, None, :]  # [B, K, nn, 3]
        gf = feats_t[bidx, idx]  # [B, K, nn, C]
        h = jnp.concatenate([gx, gf], axis=-1)
        for W, b in ws:
            h = jax.nn.relu(jnp.einsum('bknc,oc->bkno', h, W) + b)
        outs.append(jnp.max(h, axis=2))  # [B, K, out]
    cat = jnp.concatenate(outs, axis=-1)  # [B, K, 128]
    new_feats = jax.nn.relu(jnp.einsum('bkc,oc->bko', cat, w_agg) + b_agg)
    return sampled, jnp.transpose(new_feats, (0, 2, 1))

if __name__ == "__main__":
    import jax
    _d = setup_inputs()
    print(jax.jit(kernel)(*tuple(_d.values())))

</pallas_src>

<mosaic_0001>
#map = affine_map<(d0, d1) -> (0)>
#map1 = affine_map<(d0, d1) -> (0, 0)>
module attributes {stable_mosaic.version = 14 : i64} {
  func.func @k(%arg0: i32, %arg1: i32, %arg2: memref<4096xf32, #tpu.memory_space<hbm>>, %arg3: memref<4096xf32, #tpu.memory_space<hbm>>, %arg4: memref<4096xf32, #tpu.memory_space<hbm>>, %arg5: memref<32768xf32, #tpu.memory_space<hbm>>, %arg6: memref<32768xf32, #tpu.memory_space<hbm>>, %arg7: memref<32768xf32, #tpu.memory_space<hbm>>, %arg8: memref<32768x128xf32, #tpu.memory_space<hbm>>, %arg9: memref<65536x128xf32, #tpu.memory_space<hbm>>, %arg10: memref<131072x128xf32, #tpu.memory_space<hbm>>, %arg11: memref<8192xf32, #tpu.memory_space<vmem>>, %arg12: memref<8192xf32, #tpu.memory_space<vmem>>, %arg13: memref<8192xf32, #tpu.memory_space<vmem>>, %arg14: memref<128xf32, #tpu.memory_space<vmem>>, %arg15: memref<128xf32, #tpu.memory_space<vmem>>, %arg16: memref<128xf32, #tpu.memory_space<vmem>>, %arg17: memref<64xi32, #tpu.memory_space<vmem>>, %arg18: memref<16x128xi32, #tpu.memory_space<vmem>>, %arg19: memref<32x128xi32, #tpu.memory_space<vmem>>, %arg20: memref<128x128xf32, #tpu.memory_space<vmem>>, %arg21: memref<!tpu.dma_semaphore, #tpu.memory_space<semaphore_mem>>) attributes {dimension_semantics = [#tpu.dimension_semantics<core_parallel>, #tpu.dimension_semantics<subcore_parallel>], iteration_bounds = array<i64: 2, 16>, scalar_prefetch = 0 : i64, scratch_operands = 11 : i64, tpu.core_type = #tpu.core_type<sc_vector_subcore>, window_params = [{transform_indices = #map}, {transform_indices = #map}, {transform_indices = #map}, {transform_indices = #map}, {transform_indices = #map}, {transform_indices = #map}, {transform_indices = #map1}, {transform_indices = #map1}, {transform_indices = #map1}]} {
    %mul3A = arith.constant 2 : i32
    %mul3A_0 = arith.muli %arg1, %mul3A : i32
    %add3A = arith.addi %mul3A_0, %arg0 : i32
    %mul3A_1 = arith.constant 128 : i32
    %mul3A_2 = arith.muli %add3A, %mul3A_1 : i32
    %multiple_of3A = tpu.assume_multiple %mul3A_2, 128 : i32
    %jit3A = arith.constant 8 : i32
    %div3A = arith.divsi %add3A, %jit3A : i32
    %sign3A = arith.constant 0 : i32
    %sign3A_3 = arith.cmpi sgt, %add3A, %sign3A : i32
    %sign3A_4 = arith.extui %sign3A_3 : i1 to i32
    %sign3A_5 = arith.constant 0 : i32
    %sign3A_6 = arith.cmpi slt, %add3A, %sign3A_5 : i32
    %sign3A_7 = arith.extui %sign3A_6 : i1 to i32
    %sign3A_8 = arith.subi %sign3A_4, %sign3A_7 : i32
    %sign3A_9 = arith.constant 0 : i32
    %sign3A_10 = arith.cmpi sgt, %jit3A, %sign3A_9 : i32
    %sign3A_11 = arith.extui %sign3A_10 : i1 to i32
    %sign3A_12 = arith.constant 0 : i32
    %sign3A_13 = arith.cmpi slt, %jit3A, %sign3A_12 : i32
    %sign3A_14 = arith.extui %sign3A_13 : i1 to i32
    %sign3A_15 = arith.subi %sign3A_11, %sign3A_14 : i32
    %ne3A = arith.cmpi ne, %sign3A_8, %sign3A_15 : i32
    %rem3A = arith.remsi %add3A, %jit3A : i32
    %ne3A_16 = arith.constant 0 : i32
    %ne3A_17 = arith.cmpi ne, %rem3A, %ne3A_16 : i32
    %and3A = arith.andi %ne3A, %ne3A_17 : i1
    %sub3A = arith.constant 1 : i32
    %sub3A_18 = arith.subi %div3A, %sub3A : i32
    %select_n3A = arith.select %and3A, %sub3A_18, %div3A : i32
    %mul3A_19 = arith.constant 8192 : i32
    %mul3A_20 = arith.muli %select_n3A, %mul3A_19 : i32
    %multiple_of3A_21 = tpu.assume_multiple %mul3A_20, 8192 : i32
    "tpu.region"() ({
      %run_scoped3A = tpu.sem_alloc : memref<!tpu.dma_semaphore, #tpu.memory_space<semaphore_mem>>
      %dma_start3A = tpu.memref_slice %arg5[%multiple_of3A_21] : memref<32768xf32, #tpu.memory_space<hbm>> -> memref<8192xf32, #tpu.memory_space<hbm>>
      %dma_start3A_42 = tpu.memref_slice %arg5[%multiple_of3A_21] : memref<32768xf32, #tpu.memory_space<hbm>> -> memref<8192xf32, #tpu.memory_space<hbm>>
      tpu.enqueue_dma source(%dma_start3A_42 : memref<8192xf32, #tpu.memory_space<hbm>>) target(%arg11 : memref<8192xf32, #tpu.memory_space<vmem>>) target_semaphore(%run_scoped3A : memref<!tpu.dma_semaphore, #tpu.memory_space<semaphore_mem>>)
      %dma_wait3A = tpu.memref_slice %arg5[%multiple_of3A_21] : memref<32768xf32, #tpu.memory_space<hbm>> -> memref<8192xf32, #tpu.memory_space<hbm>>
      %dma_wait3A_43 = tpu.memref_slice %arg5[%multiple_of3A_21] : memref<32768xf32, #tpu.memory_space<hbm>> -> memref<8192xf32, #tpu.memory_space<hbm>>
      tpu.wait_dma2 semaphore(%run_scoped3A : memref<!tpu.dma_semaphore, #tpu.memory_space<semaphore_mem>>) src(%dma_wait3A_43 : memref<8192xf32, #tpu.memory_space<hbm>>) dst(%arg11 : memref<8192xf32, #tpu.memory_space<vmem>>)
      tpu.yield
    }) : () -> ()
    "tpu.region"() ({
      %run_scoped3A = tpu.sem_alloc : memref<!tpu.dma_semaphore, #tpu.memory_space<semaphore_mem>>
      %dma_start3A = tpu.memref_slice %arg6[%multiple_of3A_21] : memref<32768xf32, #tpu.memory_space<hbm>> -> memref<8192xf32, #tpu.memory_space<hbm>>
      %dma_start3A_42 = tpu.memref_slice %arg6[%multiple_of3A_21] : memref<32768xf32, #tpu.memory_space<hbm>> -> memref<8192xf32, #tpu.memory_space<hbm>>
      tpu.enqueue_dma source(%dma_start3A_42 : memref<8192xf32, #tpu.memory_space<hbm>>) target(%arg12 : memref<8192xf32, #tpu.memory_space<vmem>>) target_semaphore(%run_scoped3A : memref<!tpu.dma_semaphore, #tpu.memory_space<semaphore_mem>>)
      %dma_wait3A = tpu.memref_slice %arg6[%multiple_of3A_21] : memref<32768xf32, #tpu.memory_space<hbm>> -> memref<8192xf32, #tpu.memory_space<hbm>>
      %dma_wait3A_43 = tpu.memref_slice %arg6[%multiple_of3A_21] : memref<32768xf32, #tpu.memory_space<hbm>> -> memref<8192xf32, #tpu.memory_space<hbm>>
      tpu.wait_dma2 semaphore(%run_scoped3A : memref<!tpu.dma_semaphore, #tpu.memory_space<semaphore_mem>>) src(%dma_wait3A_43 : memref<8192xf32, #tpu.memory_space<hbm>>) dst(%arg12 : memref<8192xf32, #tpu.memory_space<vmem>>)
      tpu.yield
    }) : () -> ()
    "tpu.region"() ({
      %run_scoped3A = tpu.sem_alloc : memref<!tpu.dma_semaphore, #tpu.memory_space<semaphore_mem>>
      %dma_start3A = tpu.memref_slice %arg7[%multiple_of3A_21] : memref<32768xf32, #tpu.memory_space<hbm>> -> memref<8192xf32, #tpu.memory_space<hbm>>
      %dma_start3A_42 = tpu.memref_slice %arg7[%multiple_of3A_21] : memref<32768xf32, #tpu.memory_space<hbm>> -> memref<8192xf32, #tpu.memory_space<hbm>>
      tpu.enqueue_dma source(%dma_start3A_42 : memref<8192xf32, #tpu.memory_space<hbm>>) target(%arg13 : memref<8192xf32, #tpu.memory_space<vmem>>) target_semaphore(%run_scoped3A : memref<!tpu.dma_semaphore, #tpu.memory_space<semaphore_mem>>)
      %dma_wait3A = tpu.memref_slice %arg7[%multiple_of3A_21] : memref<32768xf32, #tpu.memory_space<hbm>> -> memref<8192xf32, #tpu.memory_space<hbm>>
      %dma_wait3A_43 = tpu.memref_slice %arg7[%multiple_of3A_21] : memref<32768xf32, #tpu.memory_space<hbm>> -> memref<8192xf32, #tpu.memory_space<hbm>>
      tpu.wait_dma2 semaphore(%run_scoped3A : memref<!tpu.dma_semaphore, #tpu.memory_space<semaphore_mem>>) src(%dma_wait3A_43 : memref<8192xf32, #tpu.memory_space<hbm>>) dst(%arg13 : memref<8192xf32, #tpu.memory_space<vmem>>)
      tpu.yield
    }) : () -> ()
    "tpu.region"() ({
      %run_scoped3A = tpu.sem_alloc : memref<!tpu.dma_semaphore, #tpu.memory_space<semaphore_mem>>
      %dma_start3A = tpu.memref_slice %arg2[%multiple_of3A] : memref<4096xf32, #tpu.memory_space<hbm>> -> memref<128xf32, #tpu.memory_space<hbm>>
      %dma_start3A_42 = tpu.memref_slice %arg2[%multiple_of3A] : memref<4096xf32, #tpu.memory_space<hbm>> -> memref<128xf32, #tpu.memory_space<hbm>>
      tpu.enqueue_dma source(%dma_start3A_42 : memref<128xf32, #tpu.memory_space<hbm>>) target(%arg14 : memref<128xf32, #tpu.memory_space<vmem>>) target_semaphore(%run_scoped3A : memref<!tpu.dma_semaphore, #tpu.memory_space<semaphore_mem>>)
      %dma_wait3A = tpu.memref_slice %arg2[%multiple_of3A] : memref<4096xf32, #tpu.memory_space<hbm>> -> memref<128xf32, #tpu.memory_space<hbm>>
      %dma_wait3A_43 = tpu.memref_slice %arg2[%multiple_of3A] : memref<4096xf32, #tpu.memory_space<hbm>> -> memref<128xf32, #tpu.memory_space<hbm>>
      tpu.wait_dma2 semaphore(%run_scoped3A : memref<!tpu.dma_semaphore, #tpu.memory_space<semaphore_mem>>) src(%dma_wait3A_43 : memref<128xf32, #tpu.memory_space<hbm>>) dst(%arg14 : memref<128xf32, #tpu.memory_space<vmem>>)
      tpu.yield
    }) : () -> ()
    "tpu.region"() ({
      %run_scoped3A = tpu.sem_alloc : memref<!tpu.dma_semaphore, #tpu.memory_space<semaphore_mem>>
      %dma_start3A = tpu.memref_slice %arg3[%multiple_of3A] : memref<4096xf32, #tpu.memory_space<hbm>> -> memref<128xf32, #tpu.memory_space<hbm>>
      %dma_start3A_42 = tpu.memref_slice %arg3[%multiple_of3A] : memref<4096xf32, #tpu.memory_space<hbm>> -> memref<128xf32, #tpu.memory_space<hbm>>
      tpu.enqueue_dma source(%dma_start3A_42 : memref<128xf32, #tpu.memory_space<hbm>>) target(%arg15 : memref<128xf32, #tpu.memory_space<vmem>>) target_semaphore(%run_scoped3A : memref<!tpu.dma_semaphore, #tpu.memory_space<semaphore_mem>>)
      %dma_wait3A = tpu.memref_slice %arg3[%multiple_of3A] : memref<4096xf32, #tpu.memory_space<hbm>> -> memref<128xf32, #tpu.memory_space<hbm>>
      %dma_wait3A_43 = tpu.memref_slice %arg3[%multiple_of3A] : memref<4096xf32, #tpu.memory_space<hbm>> -> memref<128xf32, #tpu.memory_space<hbm>>
      tpu.wait_dma2 semaphore(%run_scoped3A : memref<!tpu.dma_semaphore, #tpu.memory_space<semaphore_mem>>) src(%dma_wait3A_43 : memref<128xf32, #tpu.memory_space<hbm>>) dst(%arg15 : memref<128xf32, #tpu.memory_space<vmem>>)
      tpu.yield
    }) : () -> ()
    "tpu.region"() ({
      %run_scoped3A = tpu.sem_alloc : memref<!tpu.dma_semaphore, #tpu.memory_space<semaphore_mem>>
      %dma_start3A = tpu.memref_slice %arg4[%multiple_of3A] : memref<4096xf32, #tpu.memory_space<hbm>> -> memref<128xf32, #tpu.memory_space<hbm>>
      %dma_start3A_42 = tpu.memref_slice %arg4[%multiple_of3A] : memref<4096xf32, #tpu.memory_space<hbm>> -> memref<128xf32, #tpu.memory_space<hbm>>
      tpu.enqueue_dma source(%dma_start3A_42 : memref<128xf32, #tpu.memory_space<hbm>>) target(%arg16 : memref<128xf32, #tpu.memory_space<vmem>>) target_semaphore(%run_scoped3A : memref<!tpu.dma_semaphore, #tpu.memory_space<semaphore_mem>>)
      %dma_wait3A = tpu.memref_slice %arg4[%multiple_of3A] : memref<4096xf32, #tpu.memory_space<hbm>> -> memref<128xf32, #tpu.memory_space<hbm>>
      %dma_wait3A_43 = tpu.memref_slice %arg4[%multiple_of3A] : memref<4096xf32, #tpu.memory_space<hbm>> -> memref<128xf32, #tpu.memory_space<hbm>>
      tpu.wait_dma2 semaphore(%run_scoped3A : memref<!tpu.dma_semaphore, #tpu.memory_space<semaphore_mem>>) src(%dma_wait3A_43 : memref<128xf32, #tpu.memory_space<hbm>>) dst(%arg16 : memref<128xf32, #tpu.memory_space<vmem>>)
      tpu.yield
    }) : () -> ()
    %iota3A = tpu.iota {dimensions = array<i32: 0>} : vector<16xi32>
    %scan3A = arith.constant 0 : i32
    %scan3A_22 = arith.constant 0 : i32
    %scan3A_23 = arith.constant 128 : i32
    %scan3A_24 = arith.addi %scan3A_22, %scan3A_23 : i32
    %scan3A_25 = arith.constant 1 : i32
    %scan3A_26 = scf.for %scan3A_42 = %scan3A_22 to %scan3A_24 step %scan3A_25 iter_args(%scan3A_43 = %scan3A) -> (i32)  : i32 {
      %jit3A_44 = arith.constant 16 : i32
      %div3A_45 = arith.divsi %scan3A_42, %jit3A_44 : i32
      %sign3A_46 = arith.constant 0 : i32
      %sign3A_47 = arith.cmpi sgt, %scan3A_42, %sign3A_46 : i32
      %sign3A_48 = arith.extui %sign3A_47 : i1 to i32
      %sign3A_49 = arith.constant 0 : i32
      %sign3A_50 = arith.cmpi slt, %scan3A_42, %sign3A_49 : i32
      %sign3A_51 = arith.extui %sign3A_50 : i1 to i32
      %sign3A_52 = arith.subi %sign3A_48, %sign3A_51 : i32
      %sign3A_53 = arith.constant 0 : i32
      %sign3A_54 = arith.cmpi sgt, %jit3A_44, %sign3A_53 : i32
      %sign3A_55 = arith.extui %sign3A_54 : i1 to i32
      %sign3A_56 = arith.constant 0 : i32
      %sign3A_57 = arith.cmpi slt, %jit3A_44, %sign3A_56 : i32
      %sign3A_58 = arith.extui %sign3A_57 : i1 to i32
      %sign3A_59 = arith.subi %sign3A_55, %sign3A_58 : i32
      %ne3A_60 = arith.cmpi ne, %sign3A_52, %sign3A_59 : i32
      %rem3A_61 = arith.remsi %scan3A_42, %jit3A_44 : i32
      %ne3A_62 = arith.constant 0 : i32
      %ne3A_63 = arith.cmpi ne, %rem3A_61, %ne3A_62 : i32
      %and3A_64 = arith.andi %ne3A_60, %ne3A_63 : i1
      %sub3A_65 = arith.constant 1 : i32
      %sub3A_66 = arith.subi %div3A_45, %sub3A_65 : i32
      %select_n3A_67 = arith.select %and3A_64, %sub3A_66, %div3A_45 : i32
      %mul3A_68 = arith.constant 16 : i32
      %mul3A_69 = arith.muli %select_n3A_67, %mul3A_68 : i32
      %sub3A_70 = arith.subi %scan3A_42, %mul3A_69 : i32
      %mul3A_71 = arith.constant 16 : i32
      %mul3A_72 = arith.muli %select_n3A_67, %mul3A_71 : i32
      %get3A = arith.index_cast %mul3A_72 : i32 to index
      %get3A_73 = tpu.vector_load %arg14[%get3A] {strides = array<i32>} : memref<128xf32, #tpu.memory_space<vmem>>, vector<16xf32>,
      %broadcast_in_dim3A = vector.broadcast %sub3A_70 : i32 to vector<16x1xi32>
      %gather3A = vector.shape_cast %broadcast_in_dim3A : vector<16x1xi32> to vector<16xi32>
      %gather3A_74 = tpu.dynamic_gather %get3A_73[%gather3A] in [0] : vector<16xf32>, vector<16xi32> -> vector<16xf32>
      %mul3A_75 = arith.constant 16 : i32
      %mul3A_76 = arith.muli %select_n3A_67, %mul3A_75 : i32
      %get3A_77 = arith.index_cast %mul3A_76 : i32 to index
      %get3A_78 = tpu.vector_load %arg15[%get3A_77] {strides = array<i32>} : memref<128xf32, #tpu.memory_space<vmem>>, vector<16xf32>,
      %broadcast_in_dim3A_79 = vector.broadcast %sub3A_70 : i32 to vector<16x1xi32>
      %gather3A_80 = vector.shape_cast %broadcast_in_dim3A_79 : vector<16x1xi32> to vector<16xi32>
      %gather3A_81 = tpu.dynamic_gather %get3A_78[%gather3A_80] in [0] : vector<16xf32>, vector<16xi32> -> vector<16xf32>
      %mul3A_82 = arith.constant 16 : i32
      %mul3A_83 = arith.muli %select_n3A_67, %mul3A_82 : i32
      %get3A_84 = arith.index_cast %mul3A_83 : i32 to index
      %get3A_85 = tpu.vector_load %arg16[%get3A_84] {strides = array<i32>} : memref<128xf32, #tpu.memory_space<vmem>>, vector<16xf32>,
      %broadcast_in_dim3A_86 = vector.broadcast %sub3A_70 : i32 to vector<16x1xi32>
      %gather3A_87 = vector.shape_cast %broadcast_in_dim3A_86 : vector<16x1xi32> to vector<16xi32>
      %gather3A_88 = tpu.dynamic_gather %get3A_85[%gather3A_87] in [0] : vector<16xf32>, vector<16xi32> -> vector<16xf32>
      %while3A = arith.constant 0 : i32
      %while3A_89 = arith.constant 0 : i32
      %while3A_90:2 = scf.while (%while3A_236 = %while3A, %while3A_237 = %while3A_89) : (i32, i32) -> (i32, i32) {
        %lt3A_238 = arith.constant 16 : i32
        %lt3A_239 = arith.cmpi slt, %while3A_237, %lt3A_238 : i32
        %lt3A_240 = arith.constant 512 : i32
        %lt3A_241 = arith.cmpi slt, %while3A_236, %lt3A_240 : i32
        %and3A_242 = arith.andi %lt3A_239, %lt3A_241 : i1
        scf.condition(%and3A_242) %while3A_236, %while3A_237 : i32, i32
      } do {
      ^bb0(%while3A_236: i32, %while3A_237: i32):
        %mul3A_238 = arith.constant 16 : i32
        %mul3A_239 = arith.muli %while3A_236, %mul3A_238 : i32
        %get3A_240 = arith.index_cast %mul3A_239 : i32 to index
        %get3A_241 = tpu.vector_load %arg11[%get3A_240] {strides = array<i32>} : memref<8192xf32, #tpu.memory_space<vmem>>, vector<16xf32>,
        %get3A_242 = arith.index_cast %mul3A_239 : i32 to index
        %get3A_243 = tpu.vector_load %arg12[%get3A_242] {strides = array<i32>} : memref<8192xf32, #tpu.memory_space<vmem>>, vector<16xf32>,
        %get3A_244 = arith.index_cast %mul3A_239 : i32 to index
        %get3A_245 = tpu.vector_load %arg13[%get3A_244] {strides = array<i32>} : memref<8192xf32, #tpu.memory_space<vmem>>, vector<16xf32>,
        %sub3A_246 = arith.subf %get3A_241, %gather3A_74 : vector<16xf32>
        %sub3A_247 = arith.subf %get3A_243, %gather3A_81 : vector<16xf32>
        %sub3A_248 = arith.subf %get3A_245, %gather3A_88 : vector<16xf32>
        %mul3A_249 = arith.mulf %sub3A_246, %sub3A_246 : vector<16xf32>
        %mul3A_250 = arith.mulf %sub3A_247, %sub3A_247 : vector<16xf32>
        %add3A_251 = arith.addf %mul3A_249, %mul3A_250 : vector<16xf32>
        %mul3A_252 = arith.mulf %sub3A_248, %sub3A_248 : vector<16xf32>
        %add3A_253 = arith.addf %add3A_251, %mul3A_252 : vector<16xf32>
        %lt3A_254 = arith.constant 4.000000e-02 : f32
        %lt3A_255 = vector.broadcast %lt3A_254 : f32 to vector<16xf32>
        %lt3A_256 = arith.cmpf olt, %add3A_253, %lt3A_255 : vector<16xf32>
        %add3A_257 = arith.addi %mul3A_239, %multiple_of3A_21 : i32
        %add3A_258 = vector.broadcast %add3A_257 : i32 to vector<16xi32>
        %add3A_259 = arith.addi %iota3A, %add3A_258 : vector<16xi32>
        %swap3A_260 = arith.index_cast %while3A_237 : i32 to index
        %swap3A_261 = tpu.vector_load %arg17[%swap3A_260] masked %lt3A_256 {strides = array<i32>} : memref<64xi32, #tpu.memory_space<vmem>>, vector<16xi32>, vector<16xi1>
        tpu.vector_store %arg17[%swap3A_260], %add3A_259 masked %lt3A_256 {strides = array<i32>} : memref<64xi32, #tpu.memory_space<vmem>>, vector<16xi32>, vector<16xi1>
        %all_reduce_population_count3A = tpu.all_reduce %lt3A_256 {dim = 0 : i64, kind = #tpu.reduction_kind<sum>} : vector<16xi1> -> vector<16xi32>
        %add3A_262 = arith.constant 1 : i32
        %add3A_263 = arith.addi %while3A_236, %add3A_262 : i32
        %slice3A = vector.extract_strided_slice %all_reduce_population_count3A {offsets = [0], sizes = [1], strides = [1]} : vector<16xi32> to vector<1xi32>
        %squeeze3A = vector.extract %slice3A[0] : i32 from vector<1xi32>
        %add3A_264 = arith.addi %while3A_237, %squeeze3A : i32
        scf.yield %add3A_263, %add3A_264 : i32, i32
      }
      %get3A_91 = arith.constant 0 : index
      %get3A_92 = tpu.vector_load %arg17[%get3A_91] {strides = array<i32>} : memref<64xi32, #tpu.memory_space<vmem>>, vector<16xi32>,
      %broadcast_in_dim3A_93 = arith.constant 0 : i32
      %broadcast_in_dim3A_94 = vector.broadcast %broadcast_in_dim3A_93 : i32 to vector<16x1xi32>
      %gather3A_95 = vector.shape_cast %broadcast_in_dim3A_94 : vector<16x1xi32> to vector<16xi32>
      %gather3A_96 = tpu.dynamic_gather %get3A_92[%gather3A_95] in [0] : vector<16xi32>, vector<16xi32> -> vector<16xi32>
      %lt3A = vector.broadcast %while3A_90#1 : i32 to vector<16xi32>
      %lt3A_97 = arith.cmpi slt, %iota3A, %lt3A : vector<16xi32>
      %select_n3A_98 = arith.select %lt3A_97, %get3A_92, %gather3A_96 : vector<16xi1>, vector<16xi32>
      %mul3A_99 = arith.constant 16 : i32
      %mul3A_100 = arith.muli %scan3A_42, %mul3A_99 : i32
      %jit3A_101 = arith.constant 128 : i32
      %div3A_102 = arith.divsi %mul3A_100, %jit3A_101 : i32
      %sign3A_103 = arith.constant 0 : i32
      %sign3A_104 = arith.cmpi sgt, %mul3A_100, %sign3A_103 : i32
      %sign3A_105 = arith.extui %sign3A_104 : i1 to i32
      %sign3A_106 = arith.constant 0 : i32
      %sign3A_107 = arith.cmpi slt, %mul3A_100, %sign3A_106 : i32
      %sign3A_108 = arith.extui %sign3A_107 : i1 to i32
      %sign3A_109 = arith.subi %sign3A_105, %sign3A_108 : i32
      %sign3A_110 = arith.constant 0 : i32
      %sign3A_111 = arith.cmpi sgt, %jit3A_101, %sign3A_110 : i32
      %sign3A_112 = arith.extui %sign3A_111 : i1 to i32
      %sign3A_113 = arith.constant 0 : i32
      %sign3A_114 = arith.cmpi slt, %jit3A_101, %sign3A_113 : i32
      %sign3A_115 = arith.extui %sign3A_114 : i1 to i32
      %sign3A_116 = arith.subi %sign3A_112, %sign3A_115 : i32
      %ne3A_117 = arith.cmpi ne, %sign3A_109, %sign3A_116 : i32
      %rem3A_118 = arith.remsi %mul3A_100, %jit3A_101 : i32
      %ne3A_119 = arith.constant 0 : i32
      %ne3A_120 = arith.cmpi ne, %rem3A_118, %ne3A_119 : i32
      %and3A_121 = arith.andi %ne3A_117, %ne3A_120 : i1
      %sub3A_122 = arith.constant 1 : i32
      %sub3A_123 = arith.subi %div3A_102, %sub3A_122 : i32
      %select_n3A_124 = arith.select %and3A_121, %sub3A_123, %div3A_102 : i32
      %mul3A_125 = arith.constant 128 : i32
      %mul3A_126 = arith.muli %select_n3A_124, %mul3A_125 : i32
      %sub3A_127 = arith.subi %mul3A_100, %mul3A_126 : i32
      %swap3A = arith.index_cast %select_n3A_124 : i32 to index
      %swap3A_128 = arith.index_cast %sub3A_127 : i32 to index
      %swap3A_129 = tpu.vector_load %arg18[%swap3A, %swap3A_128] {strides = array<i32>} : memref<16x128xi32, #tpu.memory_space<vmem>>, vector<16xi32>,
      tpu.vector_store %arg18[%swap3A, %swap3A_128], %select_n3A_98 {strides = array<i32>} : memref<16x128xi32, #tpu.memory_space<vmem>>, vector<16xi32>,
      %jit3A_130 = arith.constant 16 : i32
      %div3A_131 = arith.divsi %scan3A_42, %jit3A_130 : i32
      %sign3A_132 = arith.constant 0 : i32
      %sign3A_133 = arith.cmpi sgt, %scan3A_42, %sign3A_132 : i32
      %sign3A_134 = arith.extui %sign3A_133 : i1 to i32
      %sign3A_135 = arith.constant 0 : i32
      %sign3A_136 = arith.cmpi slt, %scan3A_42, %sign3A_135 : i32
      %sign3A_137 = arith.extui %sign3A_136 : i1 to i32
      %sign3A_138 = arith.subi %sign3A_134, %sign3A_137 : i32
      %sign3A_139 = arith.constant 0 : i32
      %sign3A_140 = arith.cmpi sgt, %jit3A_130, %sign3A_139 : i32
      %sign3A_141 = arith.extui %sign3A_140 : i1 to i32
      %sign3A_142 = arith.constant 0 : i32
      %sign3A_143 = arith.cmpi slt, %jit3A_130, %sign3A_142 : i32
      %sign3A_144 = arith.extui %sign3A_143 : i1 to i32
      %sign3A_145 = arith.subi %sign3A_141, %sign3A_144 : i32
      %ne3A_146 = arith.cmpi ne, %sign3A_138, %sign3A_145 : i32
      %rem3A_147 = arith.remsi %scan3A_42, %jit3A_130 : i32
      %ne3A_148 = arith.constant 0 : i32
      %ne3A_149 = arith.cmpi ne, %rem3A_147, %ne3A_148 : i32
      %and3A_150 = arith.andi %ne3A_146, %ne3A_149 : i1
      %sub3A_151 = arith.constant 1 : i32
      %sub3A_152 = arith.subi %div3A_131, %sub3A_151 : i32
      %select_n3A_153 = arith.select %and3A_150, %sub3A_152, %div3A_131 : i32
      %mul3A_154 = arith.constant 16 : i32
      %mul3A_155 = arith.muli %select_n3A_153, %mul3A_154 : i32
      %sub3A_156 = arith.subi %scan3A_42, %mul3A_155 : i32
      %mul3A_157 = arith.constant 16 : i32
      %mul3A_158 = arith.muli %select_n3A_153, %mul3A_157 : i32
      %get3A_159 = arith.index_cast %mul3A_158 : i32 to index
      %get3A_160 = tpu.vector_load %arg14[%get3A_159] {strides = array<i32>} : memref<128xf32, #tpu.memory_space<vmem>>, vector<16xf32>,
      %broadcast_in_dim3A_161 = vector.broadcast %sub3A_156 : i32 to vector<16x1xi32>
      %gather3A_162 = vector.shape_cast %broadcast_in_dim3A_161 : vector<16x1xi32> to vector<16xi32>
      %gather3A_163 = tpu.dynamic_gather %get3A_160[%gather3A_162] in [0] : vector<16xf32>, vector<16xi32> -> vector<16xf32>
      %mul3A_164 = arith.constant 16 : i32
      %mul3A_165 = arith.muli %select_n3A_153, %mul3A_164 : i32
      %get3A_166 = arith.index_cast %mul3A_165 : i32 to index
      %get3A_167 = tpu.vector_load %arg15[%get3A_166] {strides = array<i32>} : memref<128xf32, #tpu.memory_space<vmem>>, vector<16xf32>,
      %broadcast_in_dim3A_168 = vector.broadcast %sub3A_156 : i32 to vector<16x1xi32>
      %gather3A_169 = vector.shape_cast %broadcast_in_dim3A_168 : vector<16x1xi32> to vector<16xi32>
      %gather3A_170 = tpu.dynamic_gather %get3A_167[%gather3A_169] in [0] : vector<16xf32>, vector<16xi32> -> vector<16xf32>
      %mul3A_171 = arith.constant 16 : i32
      %mul3A_172 = arith.muli %select_n3A_153, %mul3A_171 : i32
      %get3A_173 = arith.index_cast %mul3A_172 : i32 to index
      %get3A_174 = tpu.vector_load %arg16[%get3A_173] {strides = array<i32>} : memref<128xf32, #tpu.memory_space<vmem>>, vector<16xf32>,
      %broadcast_in_dim3A_175 = vector.broadcast %sub3A_156 : i32 to vector<16x1xi32>
      %gather3A_176 = vector.shape_cast %broadcast_in_dim3A_175 : vector<16x1xi32> to vector<16xi32>
      %gather3A_177 = tpu.dynamic_gather %get3A_174[%gather3A_176] in [0] : vector<16xf32>, vector<16xi32> -> vector<16xf32>
      %while3A_178 = arith.constant 0 : i32
      %while3A_179 = arith.constant 0 : i32
      %while3A_180:2 = scf.while (%while3A_236 = %while3A_178, %while3A_237 = %while3A_179) : (i32, i32) -> (i32, i32) {
        %lt3A_238 = arith.constant 32 : i32
        %lt3A_239 = arith.cmpi slt, %while3A_237, %lt3A_238 : i32
        %lt3A_240 = arith.constant 512 : i32
        %lt3A_241 = arith.cmpi slt, %while3A_236, %lt3A_240 : i32
        %and3A_242 = arith.andi %lt3A_239, %lt3A_241 : i1
        scf.condition(%and3A_242) %while3A_236, %while3A_237 : i32, i32
      } do {
      ^bb0(%while3A_236: i32, %while3A_237: i32):
        %mul3A_238 = arith.constant 16 : i32
        %mul3A_239 = arith.muli %while3A_236, %mul3A_238 : i32
        %get3A_240 = arith.index_cast %mul3A_239 : i32 to index
        %get3A_241 = tpu.vector_load %arg11[%get3A_240] {strides = array<i32>} : memref<8192xf32, #tpu.memory_space<vmem>>, vector<16xf32>,
        %get3A_242 = arith.index_cast %mul3A_239 : i32 to index
        %get3A_243 = tpu.vector_load %arg12[%get3A_242] {strides = array<i32>} : memref<8192xf32, #tpu.memory_space<vmem>>, vector<16xf32>,
        %get3A_244 = arith.index_cast %mul3A_239 : i32 to index
        %get3A_245 = tpu.vector_load %arg13[%get3A_244] {strides = array<i32>} : memref<8192xf32, #tpu.memory_space<vmem>>, vector<16xf32>,
        %sub3A_246 = arith.subf %get3A_241, %gather3A_163 : vector<16xf32>
        %sub3A_247 = arith.subf %get3A_243, %gather3A_170 : vector<16xf32>
        %sub3A_248 = arith.subf %get3A_245, %gather3A_177 : vector<16xf32>
        %mul3A_249 = arith.mulf %sub3A_246, %sub3A_246 : vector<16xf32>
        %mul3A_250 = arith.mulf %sub3A_247, %sub3A_247 : vector<16xf32>
        %add3A_251 = arith.addf %mul3A_249, %mul3A_250 : vector<16xf32>
        %mul3A_252 = arith.mulf %sub3A_248, %sub3A_248 : vector<16xf32>
        %add3A_253 = arith.addf %add3A_251, %mul3A_252 : vector<16xf32>
        %lt3A_254 = arith.constant 1.600000e-01 : f32
        %lt3A_255 = vector.broadcast %lt3A_254 : f32 to vector<16xf32>
        %lt3A_256 = arith.cmpf olt, %add3A_253, %lt3A_255 : vector<16xf32>
        %add3A_257 = arith.addi %mul3A_239, %multiple_of3A_21 : i32
        %add3A_258 = vector.broadcast %add3A_257 : i32 to vector<16xi32>
        %add3A_259 = arith.addi %iota3A, %add3A_258 : vector<16xi32>
        %swap3A_260 = arith.index_cast %while3A_237 : i32 to index
        %swap3A_261 = tpu.vector_load %arg17[%swap3A_260] masked %lt3A_256 {strides = array<i32>} : memref<64xi32, #tpu.memory_space<vmem>>, vector<16xi32>, vector<16xi1>
        tpu.vector_store %arg17[%swap3A_260], %add3A_259 masked %lt3A_256 {strides = array<i32>} : memref<64xi32, #tpu.memory_space<vmem>>, vector<16xi32>, vector<16xi1>
        %all_reduce_population_count3A = tpu.all_reduce %lt3A_256 {dim = 0 : i64, kind = #tpu.reduction_kind<sum>} : vector<16xi1> -> vector<16xi32>
        %add3A_262 = arith.constant 1 : i32
        %add3A_263 = arith.addi %while3A_236, %add3A_262 : i32
        %slice3A = vector.extract_strided_slice %all_reduce_population_count3A {offsets = [0], sizes = [1], strides = [1]} : vector<16xi32> to vector<1xi32>
        %squeeze3A = vector.extract %slice3A[0] : i32 from vector<1xi32>
        %add3A_264 = arith.addi %while3A_237, %squeeze3A : i32
        scf.yield %add3A_263, %add3A_264 : i32, i32
      }
      %get3A_181 = arith.constant 0 : index
      %get3A_182 = tpu.vector_load %arg17[%get3A_181] {strides = array<i32>} : memref<64xi32, #tpu.memory_space<vmem>>, vector<16xi32>,
      %broadcast_in_dim3A_183 = arith.constant 0 : i32
      %broadcast_in_dim3A_184 = vector.broadcast %broadcast_in_dim3A_183 : i32 to vector<16x1xi32>
      %gather3A_185 = vector.shape_cast %broadcast_in_dim3A_184 : vector<16x1xi32> to vector<16xi32>
      %gather3A_186 = tpu.dynamic_gather %get3A_182[%gather3A_185] in [0] : vector<16xi32>, vector<16xi32> -> vector<16xi32>
      %lt3A_187 = vector.broadcast %while3A_180#1 : i32 to vector<16xi32>
      %lt3A_188 = arith.cmpi slt, %iota3A, %lt3A_187 : vector<16xi32>
      %select_n3A_189 = arith.select %lt3A_188, %get3A_182, %gather3A_186 : vector<16xi1>, vector<16xi32>
      %mul3A_190 = arith.constant 32 : i32
      %mul3A_191 = arith.muli %scan3A_42, %mul3A_190 : i32
      %jit3A_192 = arith.constant 128 : i32
      %div3A_193 = arith.divsi %mul3A_191, %jit3A_192 : i32
      %sign3A_194 = arith.constant 0 : i32
      %sign3A_195 = arith.cmpi sgt, %mul3A_191, %sign3A_194 : i32
      %sign3A_196 = arith.extui %sign3A_195 : i1 to i32
      %sign3A_197 = arith.constant 0 : i32
      %sign3A_198 = arith.cmpi slt, %mul3A_191, %sign3A_197 : i32
      %sign3A_199 = arith.extui %sign3A_198 : i1 to i32
      %sign3A_200 = arith.subi %sign3A_196, %sign3A_199 : i32
      %sign3A_201 = arith.constant 0 : i32
      %sign3A_202 = arith.cmpi sgt, %jit3A_192, %sign3A_201 : i32
      %sign3A_203 = arith.extui %sign3A_202 : i1 to i32
      %sign3A_204 = arith.constant 0 : i32
      %sign3A_205 = arith.cmpi slt, %jit3A_192, %sign3A_204 : i32
      %sign3A_206 = arith.extui %sign3A_205 : i1 to i32
      %sign3A_207 = arith.subi %sign3A_203, %sign3A_206 : i32
      %ne3A_208 = arith.cmpi ne, %sign3A_200, %sign3A_207 : i32
      %rem3A_209 = arith.remsi %mul3A_191, %jit3A_192 : i32
      %ne3A_210 = arith.constant 0 : i32
      %ne3A_211 = arith.cmpi ne, %rem3A_209, %ne3A_210 : i32
      %and3A_212 = arith.andi %ne3A_208, %ne3A_211 : i1
      %sub3A_213 = arith.constant 1 : i32
      %sub3A_214 = arith.subi %div3A_193, %sub3A_213 : i32
      %select_n3A_215 = arith.select %and3A_212, %sub3A_214, %div3A_193 : i32
      %mul3A_216 = arith.constant 128 : i32
      %mul3A_217 = arith.muli %select_n3A_215, %mul3A_216 : i32
      %sub3A_218 = arith.subi %mul3A_191, %mul3A_217 : i32
      %swap3A_219 = arith.index_cast %select_n3A_215 : i32 to index
      %swap3A_220 = arith.index_cast %sub3A_218 : i32 to index
      %swap3A_221 = tpu.vector_load %arg19[%swap3A_219, %swap3A_220] {strides = array<i32>} : memref<32x128xi32, #tpu.memory_space<vmem>>, vector<16xi32>,
      tpu.vector_store %arg19[%swap3A_219, %swap3A_220], %select_n3A_189 {strides = array<i32>} : memref<32x128xi32, #tpu.memory_space<vmem>>, vector<16xi32>,
      %get3A_222 = arith.constant 16 : index
      %get3A_223 = tpu.vector_load %arg17[%get3A_222] {strides = array<i32>} : memref<64xi32, #tpu.memory_space<vmem>>, vector<16xi32>,
      %add3A_224 = arith.constant 16 : i32
      %add3A_225 = vector.broadcast %add3A_224 : i32 to vector<16xi32>
      %add3A_226 = arith.addi %iota3A, %add3A_225 : vector<16xi32>
      %lt3A_227 = vector.broadcast %while3A_180#1 : i32 to vector<16xi32>
      %lt3A_228 = arith.cmpi slt, %add3A_226, %lt3A_227 : vector<16xi32>
      %select_n3A_229 = arith.select %lt3A_228, %get3A_223, %gather3A_186 : vector<16xi1>, vector<16xi32>
      %add3A_230 = arith.constant 16 : i32
      %add3A_231 = arith.addi %sub3A_218, %add3A_230 : i32
      %swap3A_232 = arith.index_cast %select_n3A_215 : i32 to index
      %swap3A_233 = arith.index_cast %add3A_231 : i32 to index
      %swap3A_234 = tpu.vector_load %arg19[%swap3A_232, %swap3A_233] {strides = array<i32>} : memref<32x128xi32, #tpu.memory_space<vmem>>, vector<16xi32>,
      tpu.vector_store %arg19[%swap3A_232, %swap3A_233], %select_n3A_229 {strides = array<i32>} : memref<32x128xi32, #tpu.memory_space<vmem>>, vector<16xi32>,
      %scan3A_235 = arith.constant 0 : i32
      scf.yield %scan3A_235 : i32
    }
    %scan3A_27 = arith.constant 128 : i32
    %scan3A_28 = arith.constant 0 : i32
    %scan3A_29 = arith.constant 0 : i32
    %scan3A_30 = arith.constant 16 : i32
    %scan3A_31 = arith.addi %scan3A_29, %scan3A_30 : i32
    %scan3A_32 = arith.constant 1 : i32
    %scan3A_33 = scf.for %scan3A_42 = %scan3A_29 to %scan3A_31 step %scan3A_32 iter_args(%scan3A_43 = %scan3A_28) -> (i32)  : i32 {
      %dma_start3A = arith.constant 0 : i32
      %dma_start3A_44 = tpu.memref_slice %arg18[%scan3A_42, %dma_start3A] : memref<16x128xi32, #tpu.memory_space<vmem>> -> memref<1x128xi32, #tpu.memory_space<vmem>>
      %dma_start3A_45 = tpu.memref_squeeze %dma_start3A_44 : memref<1x128xi32, #tpu.memory_space<vmem>> -> memref<128xi32, #tpu.memory_space<vmem>>
      %dma_start3A_46 = arith.constant 0 : i32
      %dma_start3A_47 = arith.constant 0 : i32
      %dma_start3A_48 = tpu.memref_slice %arg8[%dma_start3A_46, %dma_start3A_47] : memref<32768x128xf32, #tpu.memory_space<hbm>> -> memref<32768x128xf32, #tpu.memory_space<hbm>>
      tpu.enqueue_indirect_dma source(%dma_start3A_48 : memref<32768x128xf32, #tpu.memory_space<hbm>>) target(%arg20 : memref<128x128xf32, #tpu.memory_space<vmem>>) offsets(%dma_start3A_45 : memref<128xi32, #tpu.memory_space<vmem>>) semaphore(%arg21 : memref<!tpu.dma_semaphore, #tpu.memory_space<semaphore_mem>>)
      %dma_wait3A = arith.constant 0 : i32
      %dma_wait3A_49 = tpu.memref_slice %arg18[%scan3A_42, %dma_wait3A] : memref<16x128xi32, #tpu.memory_space<vmem>> -> memref<1x128xi32, #tpu.memory_space<vmem>>
      %dma_wait3A_50 = tpu.memref_squeeze %dma_wait3A_49 : memref<1x128xi32, #tpu.memory_space<vmem>> -> memref<128xi32, #tpu.memory_space<vmem>>
      %dma_wait3A_51 = arith.constant 0 : i32
      %dma_wait3A_52 = arith.constant 0 : i32
      %dma_wait3A_53 = tpu.memref_slice %arg8[%dma_wait3A_51, %dma_wait3A_52] : memref<32768x128xf32, #tpu.memory_space<hbm>> -> memref<32768x128xf32, #tpu.memory_space<hbm>>
      tpu.wait_indirect_dma semaphore(%arg21 : memref<!tpu.dma_semaphore, #tpu.memory_space<semaphore_mem>>) src(%dma_wait3A_53 : memref<32768x128xf32, #tpu.memory_space<hbm>>) dst(%arg20 : memref<128x128xf32, #tpu.memory_space<vmem>>)
      %mul3A_54 = arith.constant 16 : i32
      %mul3A_55 = arith.muli %multiple_of3A, %mul3A_54 : i32
      %mul3A_56 = arith.constant 128 : i32
      %mul3A_57 = arith.muli %scan3A_42, %mul3A_56 : i32
      %add3A_58 = arith.addi %mul3A_55, %mul3A_57 : i32
      "tpu.region"() ({
        %run_scoped3A = tpu.sem_alloc : memref<!tpu.dma_semaphore, #tpu.memory_space<semaphore_mem>>
        %dma_start3A_60 = arith.constant 0 : i32
        %dma_start3A_61 = tpu.memref_slice %arg9[%add3A_58, %dma_start3A_60] : memref<65536x128xf32, #tpu.memory_space<hbm>> -> memref<128x128xf32, #tpu.memory_space<hbm>>
        %dma_start3A_62 = arith.constant 0 : i32
        %dma_start3A_63 = tpu.memref_slice %arg9[%add3A_58, %dma_start3A_62] : memref<65536x128xf32, #tpu.memory_space<hbm>> -> memref<128x128xf32, #tpu.memory_space<hbm>>
        tpu.enqueue_dma source(%arg20 : memref<128x128xf32, #tpu.memory_space<vmem>>) target(%dma_start3A_63 : memref<128x128xf32, #tpu.memory_space<hbm>>) target_semaphore(%run_scoped3A : memref<!tpu.dma_semaphore, #tpu.memory_space<semaphore_mem>>)
        %dma_wait3A_64 = arith.constant 0 : i32
        %dma_wait3A_65 = tpu.memref_slice %arg9[%add3A_58, %dma_wait3A_64] : memref<65536x128xf32, #tpu.memory_space<hbm>> -> memref<128x128xf32, #tpu.memory_space<hbm>>
        %dma_wait3A_66 = arith.constant 0 : i32
        %dma_wait3A_67 = tpu.memref_slice %arg9[%add3A_58, %dma_wait3A_66] : memref<65536x128xf32, #tpu.memory_space<hbm>> -> memref<128x128xf32, #tpu.memory_space<hbm>>
        tpu.wait_dma2 semaphore(%run_scoped3A : memref<!tpu.dma_semaphore, #tpu.memory_space<semaphore_mem>>) src(%arg20 : memref<128x128xf32, #tpu.memory_space<vmem>>) dst(%dma_wait3A_67 : memref<128x128xf32, #tpu.memory_space<hbm>>)
        tpu.yield
      }) : () -> ()
      %scan3A_59 = arith.constant 0 : i32
      scf.yield %scan3A_59 : i32
    }
    %scan3A_34 = arith.constant 16 : i32
    %scan3A_35 = arith.constant 0 : i32
    %scan3A_36 = arith.constant 0 : i32
    %scan3A_37 = arith.constant 32 : i32
    %scan3A_38 = arith.addi %scan3A_36, %scan3A_37 : i32
    %scan3A_39 = arith.constant 1 : i32
    %scan3A_40 = scf.for %scan3A_42 = %scan3A_36 to %scan3A_38 step %scan3A_39 iter_args(%scan3A_43 = %scan3A_35) -> (i32)  : i32 {
      %dma_start3A = arith.constant 0 : i32
      %dma_start3A_44 = tpu.memref_slice %arg19[%scan3A_42, %dma_start3A] : memref<32x128xi32, #tpu.memory_space<vmem>> -> memref<1x128xi32, #tpu.memory_space<vmem>>
      %dma_start3A_45 = tpu.memref_squeeze %dma_start3A_44 : memref<1x128xi32, #tpu.memory_space<vmem>> -> memref<128xi32, #tpu.memory_space<vmem>>
      %dma_start3A_46 = arith.constant 0 : i32
      %dma_start3A_47 = arith.constant 0 : i32
      %dma_start3A_48 = tpu.memref_slice %arg8[%dma_start3A_46, %dma_start3A_47] : memref<32768x128xf32, #tpu.memory_space<hbm>> -> memref<32768x128xf32, #tpu.memory_space<hbm>>
      tpu.enqueue_indirect_dma source(%dma_start3A_48 : memref<32768x128xf32, #tpu.memory_space<hbm>>) target(%arg20 : memref<128x128xf32, #tpu.memory_space<vmem>>) offsets(%dma_start3A_45 : memref<128xi32, #tpu.memory_space<vmem>>) semaphore(%arg21 : memref<!tpu.dma_semaphore, #tpu.memory_space<semaphore_mem>>)
      %dma_wait3A = arith.constant 0 : i32
      %dma_wait3A_49 = tpu.memref_slice %arg19[%scan3A_42, %dma_wait3A] : memref<32x128xi32, #tpu.memory_space<vmem>> -> memref<1x128xi32, #tpu.memory_space<vmem>>
      %dma_wait3A_50 = tpu.memref_squeeze %dma_wait3A_49 : memref<1x128xi32, #tpu.memory_space<vmem>> -> memref<128xi32, #tpu.memory_space<vmem>>
      %dma_wait3A_51 = arith.constant 0 : i32
      %dma_wait3A_52 = arith.constant 0 : i32
      %dma_wait3A_53 = tpu.memref_slice %arg8[%dma_wait3A_51, %dma_wait3A_52] : memref<32768x128xf32, #tpu.memory_space<hbm>> -> memref<32768x128xf32, #tpu.memory_space<hbm>>
      tpu.wait_indirect_dma semaphore(%arg21 : memref<!tpu.dma_semaphore, #tpu.memory_space<semaphore_mem>>) src(%dma_wait3A_53 : memref<32768x128xf32, #tpu.memory_space<hbm>>) dst(%arg20 : memref<128x128xf32, #tpu.memory_space<vmem>>)
      %mul3A_54 = arith.constant 32 : i32
      %mul3A_55 = arith.muli %multiple_of3A, %mul3A_54 : i32
      %mul3A_56 = arith.constant 128 : i32
      %mul3A_57 = arith.muli %scan3A_42, %mul3A_56 : i32
      %add3A_58 = arith.addi %mul3A_55, %mul3A_57 : i32
      "tpu.region"() ({
        %run_scoped3A = tpu.sem_alloc : memref<!tpu.dma_semaphore, #tpu.memory_space<semaphore_mem>>
        %dma_start3A_60 = arith.constant 0 : i32
        %dma_start3A_61 = tpu.memref_slice %arg10[%add3A_58, %dma_start3A_60] : memref<131072x128xf32, #tpu.memory_space<hbm>> -> memref<128x128xf32, #tpu.memory_space<hbm>>
        %dma_start3A_62 = arith.constant 0 : i32
        %dma_start3A_63 = tpu.memref_slice %arg10[%add3A_58, %dma_start3A_62] : memref<131072x128xf32, #tpu.memory_space<hbm>> -> memref<128x128xf32, #tpu.memory_space<hbm>>
        tpu.enqueue_dma source(%arg20 : memref<128x128xf32, #tpu.memory_space<vmem>>) target(%dma_start3A_63 : memref<128x128xf32, #tpu.memory_space<hbm>>) target_semaphore(%run_scoped3A : memref<!tpu.dma_semaphore, #tpu.memory_space<semaphore_mem>>)
        %dma_wait3A_64 = arith.constant 0 : i32
        %dma_wait3A_65 = tpu.memref_slice %arg10[%add3A_58, %dma_wait3A_64] : memref<131072x128xf32, #tpu.memory_space<hbm>> -> memref<128x128xf32, #tpu.memory_space<hbm>>
        %dma_wait3A_66 = arith.constant 0 : i32
        %dma_wait3A_67 = tpu.memref_slice %arg10[%add3A_58, %dma_wait3A_66] : memref<131072x128xf32, #tpu.memory_space<hbm>> -> memref<128x128xf32, #tpu.memory_space<hbm>>
        tpu.wait_dma2 semaphore(%run_scoped3A : memref<!tpu.dma_semaphore, #tpu.memory_space<semaphore_mem>>) src(%arg20 : memref<128x128xf32, #tpu.memory_space<vmem>>) dst(%dma_wait3A_67 : memref<128x128xf32, #tpu.memory_space<hbm>>)
        tpu.yield
      }) : () -> ()
      %scan3A_59 = arith.constant 0 : i32
      scf.yield %scan3A_59 : i32
    }
    %scan3A_41 = arith.constant 32 : i32
    return
  }
}

module attributes {stable_mosaic.version = 14 : i64} {
  func.func @_fps_body(%arg0: memref<4x8x1024xf32, #tpu.memory_space<vmem>>, %arg1: memref<4x8x1024xf32, #tpu.memory_space<vmem>>, %arg2: memref<4x8x1024xf32, #tpu.memory_space<vmem>>, %arg3: memref<4x3x8x128xf32, #tpu.memory_space<vmem>>) attributes {dimension_semantics = [], scalar_prefetch = 0 : i64, scratch_operands = 0 : i64, tpu.core_type = #tpu.core_type<tc>} {
    %iota3A = tpu.iota {dimensions = array<i32: 0>} : vector<8x1024xi32>
    %iota3A_0 = tpu.iota {dimensions = array<i32: 1>} : vector<8x1024xi32>
    %mul3A = arith.constant 1024 : i32
    %mul3A_1 = vector.broadcast %mul3A : i32 to vector<8x1024xi32>
    %mul3A_2 = arith.muli %iota3A, %mul3A_1 : vector<8x1024xi32>
    %add3A = arith.addi %mul3A_2, %iota3A_0 : vector<8x1024xi32>
    %iota3A_3 = tpu.iota {dimensions = array<i32: 0>} : vector<8x128xi32>
    %iota3A_4 = tpu.iota {dimensions = array<i32: 1>} : vector<8x128xi32>
    %get3A = arith.constant 0 : index
    %get3A_5 = arith.constant 0 : index
    %get3A_6 = arith.constant 0 : index
    %get3A_7 = vector.load %arg0[%get3A, %get3A_5, %get3A_6] : memref<4x8x1024xf32, #tpu.memory_space<vmem>>, vector<1x1x1xf32>
    %get3A_8 = vector.shape_cast %get3A_7 : vector<1x1x1xf32> to vector<1x1xf32>
    %get3A_9 = arith.constant 0 : index
    %get3A_10 = arith.constant 0 : index
    %get3A_11 = arith.constant 0 : index
    %get3A_12 = vector.load %arg1[%get3A_9, %get3A_10, %get3A_11] : memref<4x8x1024xf32, #tpu.memory_space<vmem>>, vector<1x1x1xf32>
    %get3A_13 = vector.shape_cast %get3A_12 : vector<1x1x1xf32> to vector<1x1xf32>
    %get3A_14 = arith.constant 0 : index
    %get3A_15 = arith.constant 0 : index
    %get3A_16 = arith.constant 0 : index
    %get3A_17 = vector.load %arg2[%get3A_14, %get3A_15, %get3A_16] : memref<4x8x1024xf32, #tpu.memory_space<vmem>>, vector<1x1x1xf32>
    %get3A_18 = vector.shape_cast %get3A_17 : vector<1x1x1xf32> to vector<1x1xf32>
    %get3A_19 = arith.constant 1 : index
    %get3A_20 = arith.constant 0 : index
    %get3A_21 = arith.constant 0 : index
    %get3A_22 = vector.load %arg0[%get3A_19, %get3A_20, %get3A_21] : memref<4x8x1024xf32, #tpu.memory_space<vmem>>, vector<1x1x1xf32>
    %get3A_23 = vector.shape_cast %get3A_22 : vector<1x1x1xf32> to vector<1x1xf32>
    %get3A_24 = arith.constant 1 : index
    %get3A_25 = arith.constant 0 : index
    %get3A_26 = arith.constant 0 : index
    %get3A_27 = vector.load %arg1[%get3A_24, %get3A_25, %get3A_26] : memref<4x8x1024xf32, #tpu.memory_space<vmem>>, vector<1x1x1xf32>
    %get3A_28 = vector.shape_cast %get3A_27 : vector<1x1x1xf32> to vector<1x1xf32>
    %get3A_29 = arith.constant 1 : index
    %get3A_30 = arith.constant 0 : index
    %get3A_31 = arith.constant 0 : index
    %get3A_32 = vector.load %arg2[%get3A_29, %get3A_30, %get3A_31] : memref<4x8x1024xf32, #tpu.memory_space<vmem>>, vector<1x1x1xf32>
    %get3A_33 = vector.shape_cast %get3A_32 : vector<1x1x1xf32> to vector<1x1xf32>
    %get3A_34 = arith.constant 2 : index
    %get3A_35 = arith.constant 0 : index
    %get3A_36 = arith.constant 0 : index
    %get3A_37 = vector.load %arg0[%get3A_34, %get3A_35, %get3A_36] : memref<4x8x1024xf32, #tpu.memory_space<vmem>>, vector<1x1x1xf32>
    %get3A_38 = vector.shape_cast %get3A_37 : vector<1x1x1xf32> to vector<1x1xf32>
    %get3A_39 = arith.constant 2 : index
    %get3A_40 = arith.constant 0 : index
    %get3A_41 = arith.constant 0 : index
    %get3A_42 = vector.load %arg1[%get3A_39, %get3A_40, %get3A_41] : memref<4x8x1024xf32, #tpu.memory_space<vmem>>, vector<1x1x1xf32>
    %get3A_43 = vector.shape_cast %get3A_42 : vector<1x1x1xf32> to vector<1x1xf32>
    %get3A_44 = arith.constant 2 : index
    %get3A_45 = arith.constant 0 : index
    %get3A_46 = arith.constant 0 : index
    %get3A_47 = vector.load %arg2[%get3A_44, %get3A_45, %get3A_46] : memref<4x8x1024xf32, #tpu.memory_space<vmem>>, vector<1x1x1xf32>
    %get3A_48 = vector.shape_cast %get3A_47 : vector<1x1x1xf32> to vector<1x1xf32>
    %get3A_49 = arith.constant 3 : index
    %get3A_50 = arith.constant 0 : index
    %get3A_51 = arith.constant 0 : index
    %get3A_52 = vector.load %arg0[%get3A_49, %get3A_50, %get3A_51] : memref<4x8x1024xf32, #tpu.memory_space<vmem>>, vector<1x1x1xf32>
    %get3A_53 = vector.shape_cast %get3A_52 : vector<1x1x1xf32> to vector<1x1xf32>
    %get3A_54 = arith.constant 3 : index
    %get3A_55 = arith.constant 0 : index
    %get3A_56 = arith.constant 0 : index
    %get3A_57 = vector.load %arg1[%get3A_54, %get3A_55, %get3A_56] : memref<4x8x1024xf32, #tpu.memory_space<vmem>>, vector<1x1x1xf32>
    %get3A_58 = vector.shape_cast %get3A_57 : vector<1x1x1xf32> to vector<1x1xf32>
    %get3A_59 = arith.constant 3 : index
    %get3A_60 = arith.constant 0 : index
    %get3A_61 = arith.constant 0 : index
    %get3A_62 = vector.load %arg2[%get3A_59, %get3A_60, %get3A_61] : memref<4x8x1024xf32, #tpu.memory_space<vmem>>, vector<1x1x1xf32>
    %get3A_63 = vector.shape_cast %get3A_62 : vector<1x1x1xf32> to vector<1x1xf32>
    %broadcast_in_dim3A = arith.constant 1.000000e+10 : f32
    %broadcast_in_dim3A_64 = vector.broadcast %broadcast_in_dim3A : f32 to vector<8x1024xf32>
    %broadcast_in_dim3A_65 = arith.constant 1.000000e+10 : f32
    %broadcast_in_dim3A_66 = vector.broadcast %broadcast_in_dim3A_65 : f32 to vector<8x1024xf32>
    %broadcast_in_dim3A_67 = arith.constant 1.000000e+10 : f32
    %broadcast_in_dim3A_68 = vector.broadcast %broadcast_in_dim3A_67 : f32 to vector<8x1024xf32>
    %broadcast_in_dim3A_69 = arith.constant 1.000000e+10 : f32
    %broadcast_in_dim3A_70 = vector.broadcast %broadcast_in_dim3A_69 : f32 to vector<8x1024xf32>
    %broadcast_in_dim3A_71 = arith.constant 0.000000e+00 : f32
    %broadcast_in_dim3A_72 = vector.broadcast %broadcast_in_dim3A_71 : f32 to vector<8x128xf32>
    %scan3A = arith.constant 0 : i32
    %scan3A_73 = arith.constant 1024 : i32
    %scan3A_74 = arith.addi %scan3A, %scan3A_73 : i32
    %scan3A_75 = arith.constant 1 : i32
    %scan3A_76:28 = scf.for %scan3A_161 = %scan3A to %scan3A_74 step %scan3A_75 iter_args(%scan3A_162 = %get3A_8, %scan3A_163 = %get3A_13, %scan3A_164 = %get3A_18, %scan3A_165 = %get3A_23, %scan3A_166 = %get3A_28, %scan3A_167 = %get3A_33, %scan3A_168 = %get3A_38, %scan3A_169 = %get3A_43, %scan3A_170 = %get3A_48, %scan3A_171 = %get3A_53, %scan3A_172 = %get3A_58, %scan3A_173 = %get3A_63, %scan3A_174 = %broadcast_in_dim3A_64, %scan3A_175 = %broadcast_in_dim3A_66, %scan3A_176 = %broadcast_in_dim3A_68, %scan3A_177 = %broadcast_in_dim3A_70, %scan3A_178 = %broadcast_in_dim3A_72, %scan3A_179 = %broadcast_in_dim3A_72, %scan3A_180 = %broadcast_in_dim3A_72, %scan3A_181 = %broadcast_in_dim3A_72, %scan3A_182 = %broadcast_in_dim3A_72, %scan3A_183 = %broadcast_in_dim3A_72, %scan3A_184 = %broadcast_in_dim3A_72, %scan3A_185 = %broadcast_in_dim3A_72, %scan3A_186 = %broadcast_in_dim3A_72, %scan3A_187 = %broadcast_in_dim3A_72, %scan3A_188 = %broadcast_in_dim3A_72, %scan3A_189 = %broadcast_in_dim3A_72) -> (vector<1x1xf32>, vector<1x1xf32>, vector<1x1xf32>, vector<1x1xf32>, vector<1x1xf32>, vector<1x1xf32>, vector<1x1xf32>, vector<1x1xf32>, vector<1x1xf32>, vector<1x1xf32>, vector<1x1xf32>, vector<1x1xf32>, vector<8x1024xf32>, vector<8x1024xf32>, vector<8x1024xf32>, vector<8x1024xf32>, vector<8x128xf32>, vector<8x128xf32>, vector<8x128xf32>, vector<8x128xf32>, vector<8x128xf32>, vector<8x128xf32>, vector<8x128xf32>, vector<8x128xf32>, vector<8x128xf32>, vector<8x128xf32>, vector<8x128xf32>, vector<8x128xf32>)  : i32 {
      %jit3A = arith.constant 128 : i32
      %div3A = arith.divsi %scan3A_161, %jit3A : i32
      %sign3A = arith.constant 0 : i32
      %sign3A_190 = arith.cmpi sgt, %scan3A_161, %sign3A : i32
      %sign3A_191 = arith.extui %sign3A_190 : i1 to i32
      %sign3A_192 = arith.constant 0 : i32
      %sign3A_193 = arith.cmpi slt, %scan3A_161, %sign3A_192 : i32
      %sign3A_194 = arith.extui %sign3A_193 : i1 to i32
      %sign3A_195 = arith.subi %sign3A_191, %sign3A_194 : i32
      %sign3A_196 = arith.constant 0 : i32
      %sign3A_197 = arith.cmpi sgt, %jit3A, %sign3A_196 : i32
      %sign3A_198 = arith.extui %sign3A_197 : i1 to i32
      %sign3A_199 = arith.constant 0 : i32
      %sign3A_200 = arith.cmpi slt, %jit3A, %sign3A_199 : i32
      %sign3A_201 = arith.extui %sign3A_200 : i1 to i32
      %sign3A_202 = arith.subi %sign3A_198, %sign3A_201 : i32
      %ne3A = arith.cmpi ne, %sign3A_195, %sign3A_202 : i32
      %rem3A = arith.remsi %scan3A_161, %jit3A : i32
      %ne3A_203 = arith.constant 0 : i32
      %ne3A_204 = arith.cmpi ne, %rem3A, %ne3A_203 : i32
      %and3A = arith.andi %ne3A, %ne3A_204 : i1
      %sub3A = arith.constant 1 : i32
      %sub3A_205 = arith.subi %div3A, %sub3A : i32
      %select_n3A = arith.select %and3A, %sub3A_205, %div3A : i32
      %eq3A = vector.broadcast %select_n3A : i32 to vector<8x128xi32>
      %eq3A_206 = arith.cmpi eq, %iota3A_3, %eq3A : vector<8x128xi32>
      %jit3A_207 = arith.constant 128 : i32
      %eq3A_208 = arith.constant 0 : i32
      %eq3A_209 = arith.cmpi eq, %jit3A_207, %eq3A_208 : i32
      %jit3A_210 = arith.constant 1 : i32
      %select_n3A_211 = arith.select %eq3A_209, %jit3A_210, %jit3A_207 : i32
      %rem3A_212 = arith.remsi %scan3A_161, %select_n3A_211 : i32
      %ne3A_213 = arith.constant 0 : i32
      %ne3A_214 = arith.cmpi ne, %rem3A_212, %ne3A_213 : i32
      %lt3A = arith.constant 0 : i32
      %lt3A_215 = arith.cmpi slt, %rem3A_212, %lt3A : i32
      %lt3A_216 = arith.constant 0 : i32
      %lt3A_217 = arith.cmpi slt, %select_n3A_211, %lt3A_216 : i32
      %ne3A_218 = arith.xori %lt3A_215, %lt3A_217 : i1
      %and3A_219 = arith.andi %ne3A_218, %ne3A_214 : i1
      %add3A_220 = arith.addi %rem3A_212, %select_n3A_211 : i32
      %select_n3A_221 = arith.select %and3A_219, %add3A_220, %rem3A_212 : i32
      %eq3A_222 = vector.broadcast %select_n3A_221 : i32 to vector<8x128xi32>
      %eq3A_223 = arith.cmpi eq, %iota3A_4, %eq3A_222 : vector<8x128xi32>
      %and3A_224 = arith.andi %eq3A_206, %eq3A_223 : vector<8x128xi1>
      %get3A_225 = arith.constant 0 : index
      %get3A_226 = arith.constant 0 : index
      %get3A_227 = arith.constant 0 : index
      %get3A_228 = vector.load %arg0[%get3A_225, %get3A_226, %get3A_227] : memref<4x8x1024xf32, #tpu.memory_space<vmem>>, vector<1x8x1024xf32>
      %get3A_229 = vector.shape_cast %get3A_228 : vector<1x8x1024xf32> to vector<8x1024xf32>
      %get3A_230 = arith.constant 0 : index
      %get3A_231 = arith.constant 0 : index
      %get3A_232 = arith.constant 0 : index
      %get3A_233 = vector.load %arg1[%get3A_230, %get3A_231, %get3A_232] : memref<4x8x1024xf32, #tpu.memory_space<vmem>>, vector<1x8x1024xf32>
      %get3A_234 = vector.shape_cast %get3A_233 : vector<1x8x1024xf32> to vector<8x1024xf32>
      %get3A_235 = arith.constant 0 : index
      %get3A_236 = arith.constant 0 : index
      %get3A_237 = arith.constant 0 : index
      %get3A_238 = vector.load %arg2[%get3A_235, %get3A_236, %get3A_237] : memref<4x8x1024xf32, #tpu.memory_space<vmem>>, vector<1x8x1024xf32>
      %get3A_239 = vector.shape_cast %get3A_238 : vector<1x8x1024xf32> to vector<8x1024xf32>
      %sub3A_240 = vector.broadcast %scan3A_162 : vector<1x1xf32> to vector<8x1024xf32>
      %sub3A_241 = arith.subf %get3A_229, %sub3A_240 : vector<8x1024xf32>
      %sub3A_242 = vector.broadcast %scan3A_163 : vector<1x1xf32> to vector<8x1024xf32>
      %sub3A_243 = arith.subf %get3A_234, %sub3A_242 : vector<8x1024xf32>
      %sub3A_244 = vector.broadcast %scan3A_164 : vector<1x1xf32> to vector<8x1024xf32>
      %sub3A_245 = arith.subf %get3A_239, %sub3A_244 : vector<8x1024xf32>
      %mul3A_246 = arith.mulf %sub3A_241, %sub3A_241 : vector<8x1024xf32>
      %mul3A_247 = arith.mulf %sub3A_243, %sub3A_243 : vector<8x1024xf32>
      %add3A_248 = arith.addf %mul3A_246, %mul3A_247 : vector<8x1024xf32>
      %mul3A_249 = arith.mulf %sub3A_245, %sub3A_245 : vector<8x1024xf32>
      %add3A_250 = arith.addf %add3A_248, %mul3A_249 : vector<8x1024xf32>
      %min3A = arith.minimumf %scan3A_174, %add3A_250 : vector<8x1024xf32>
      %broadcast_in_dim3A_251 = vector.shape_cast %scan3A_162 : vector<1x1xf32> to vector<1x1xf32>
      %broadcast_in_dim3A_252 = vector.broadcast %broadcast_in_dim3A_251 : vector<1x1xf32> to vector<8x128xf32>
      %select_n3A_253 = arith.select %and3A_224, %broadcast_in_dim3A_252, %scan3A_178 : vector<8x128xi1>, vector<8x128xf32>
      %broadcast_in_dim3A_254 = vector.shape_cast %scan3A_163 : vector<1x1xf32> to vector<1x1xf32>
      %broadcast_in_dim3A_255 = vector.broadcast %broadcast_in_dim3A_254 : vector<1x1xf32> to vector<8x128xf32>
      %select_n3A_256 = arith.select %and3A_224, %broadcast_in_dim3A_255, %scan3A_179 : vector<8x128xi1>, vector<8x128xf32>
      %broadcast_in_dim3A_257 = vector.shape_cast %scan3A_164 : vector<1x1xf32> to vector<1x1xf32>
      %broadcast_in_dim3A_258 = vector.broadcast %broadcast_in_dim3A_257 : vector<1x1xf32> to vector<8x128xf32>
      %select_n3A_259 = arith.select %and3A_224, %broadcast_in_dim3A_258, %scan3A_180 : vector<8x128xi1>, vector<8x128xf32>
      %reduce_max3A = vector.shape_cast %min3A : vector<8x1024xf32> to vector<1x8x1024xf32>
      %reduce_max3A_260 = arith.constant dense<0xFF800000> : vector<1xf32>
      %reduce_max3A_261 = vector.multi_reduction <maximumf>, %reduce_max3A, %reduce_max3A_260 [1, 2] : vector<1x8x1024xf32> to vector<1xf32>
      %reduce_max3A_262 = vector.shape_cast %reduce_max3A_261 : vector<1xf32> to vector<1x1x1xf32>
      %reduce_max3A_263 = vector.extract %reduce_max3A_262[0, 0, 0] : f32 from vector<1x1x1xf32>
      %broadcast_in_dim3A_264 = vector.broadcast %reduce_max3A_263 : f32 to vector<1x1xf32>
      %eq3A_265 = vector.broadcast %broadcast_in_dim3A_264 : vector<1x1xf32> to vector<8x1024xf32>
      %eq3A_266 = arith.cmpf oeq, %min3A, %eq3A_265 : vector<8x1024xf32>
      %jit3A_267 = arith.constant 8192 : i32
      %broadcast_in_dim3A_268 = vector.broadcast %jit3A_267 : i32 to vector<8x1024xi32>
      %select_n3A_269 = arith.select %eq3A_266, %add3A, %broadcast_in_dim3A_268 : vector<8x1024xi1>, vector<8x1024xi32>
      %reduce_min3A = vector.shape_cast %select_n3A_269 : vector<8x1024xi32> to vector<1x8x1024xi32>
      %reduce_min3A_270 = arith.constant dense<2147483647> : vector<1xi32>
      %reduce_min3A_271 = vector.multi_reduction <minsi>, %reduce_min3A, %reduce_min3A_270 [1, 2] : vector<1x8x1024xi32> to vector<1xi32>
      %reduce_min3A_272 = vector.shape_cast %reduce_min3A_271 : vector<1xi32> to vector<1x1x1xi32>
      %reduce_min3A_273 = vector.extract %reduce_min3A_272[0, 0, 0] : i32 from vector<1x1x1xi32>
      %broadcast_in_dim3A_274 = vector.broadcast %reduce_min3A_273 : i32 to vector<1x1xi32>
      %eq3A_275 = vector.broadcast %broadcast_in_dim3A_274 : vector<1x1xi32> to vector<8x1024xi32>
      %eq3A_276 = arith.cmpi eq, %add3A, %eq3A_275 : vector<8x1024xi32>
      %jit3A_277 = arith.constant 0.000000e+00 : f32
      %broadcast_in_dim3A_278 = vector.broadcast %jit3A_277 : f32 to vector<8x1024xf32>
      %select_n3A_279 = arith.select %eq3A_276, %get3A_229, %broadcast_in_dim3A_278 : vector<8x1024xi1>, vector<8x1024xf32>
      %reduce_sum3A = vector.shape_cast %select_n3A_279 : vector<8x1024xf32> to vector<1x8x1024xf32>
      %reduce_sum3A_280 = arith.constant dense<0.000000e+00> : vector<1xf32>
      %reduce_sum3A_281 = vector.multi_reduction <add>, %reduce_sum3A, %reduce_sum3A_280 [1, 2] : vector<1x8x1024xf32> to vector<1xf32>
      %reduce_sum3A_282 = vector.shape_cast %reduce_sum3A_281 : vector<1xf32> to vector<1x1x1xf32>
      %reduce_sum3A_283 = vector.extract %reduce_sum3A_282[0, 0, 0] : f32 from vector<1x1x1xf32>
      %broadcast_in_dim3A_284 = vector.broadcast %reduce_sum3A_283 : f32 to vector<1x1xf32>
      %jit3A_285 = arith.constant 0.000000e+00 : f32
      %broadcast_in_dim3A_286 = vector.broadcast %jit3A_285 : f32 to vector<8x1024xf32>
      %select_n3A_287 = arith.select %eq3A_276, %get3A_234, %broadcast_in_dim3A_286 : vector<8x1024xi1>, vector<8x1024xf32>
      %reduce_sum3A_288 = vector.shape_cast %select_n3A_287 : vector<8x1024xf32> to vector<1x8x1024xf32>
      %reduce_sum3A_289 = arith.constant dense<0.000000e+00> : vector<1xf32>
      %reduce_sum3A_290 = vector.multi_reduction <add>, %reduce_sum3A_288, %reduce_sum3A_289 [1, 2] : vector<1x8x1024xf32> to vector<1xf32>
      %reduce_sum3A_291 = vector.shape_cast %reduce_sum3A_290 : vector<1xf32> to vector<1x1x1xf32>
      %reduce_sum3A_292 = vector.extract %reduce_sum3A_291[0, 0, 0] : f32 from vector<1x1x1xf32>
      %broadcast_in_dim3A_293 = vector.broadcast %reduce_sum3A_292 : f32 to vector<1x1xf32>
      %jit3A_294 = arith.constant 0.000000e+00 : f32
      %broadcast_in_dim3A_295 = vector.broadcast %jit3A_294 : f32 to vector<8x1024xf32>
      %select_n3A_296 = arith.select %eq3A_276, %get3A_239, %broadcast_in_dim3A_295 : vector<8x1024xi1>, vector<8x1024xf32>
      %reduce_sum3A_297 = vector.shape_cast %select_n3A_296 : vector<8x1024xf32> to vector<1x8x1024xf32>
      %reduce_sum3A_298 = arith.constant dense<0.000000e+00> : vector<1xf32>
      %reduce_sum3A_299 = vector.multi_reduction <add>, %reduce_sum3A_297, %reduce_sum3A_298 [1, 2] : vector<1x8x1024xf32> to vector<1xf32>
      %reduce_sum3A_300 = vector.shape_cast %reduce_sum3A_299 : vector<1xf32> to vector<1x1x1xf32>
      %reduce_sum3A_301 = vector.extract %reduce_sum3A_300[0, 0, 0] : f32 from vector<1x1x1xf32>
      %broadcast_in_dim3A_302 = vector.broadcast %reduce_sum3A_301 : f32 to vector<1x1xf32>
      %get3A_303 = arith.constant 1 : index
      %get3A_304 = arith.constant 0 : index
      %get3A_305 = arith.constant 0 : index
      %get3A_306 = vector.load %arg0[%get3A_303, %get3A_304, %get3A_305] : memref<4x8x1024xf32, #tpu.memory_space<vmem>>, vector<1x8x1024xf32>
      %get3A_307 = vector.shape_cast %get3A_306 : vector<1x8x1024xf32> to vector<8x1024xf32>
      %get3A_308 = arith.constant 1 : index
      %get3A_309 = arith.constant 0 : index
      %get3A_310 = arith.constant 0 : index
      %get3A_311 = vector.load %arg1[%get3A_308, %get3A_309, %get3A_310] : memref<4x8x1024xf32, #tpu.memory_space<vmem>>, vector<1x8x1024xf32>
      %get3A_312 = vector.shape_cast %get3A_311 : vector<1x8x1024xf32> to vector<8x1024xf32>
      %get3A_313 = arith.constant 1 : index
      %get3A_314 = arith.constant 0 : index
      %get3A_315 = arith.constant 0 : index
      %get3A_316 = vector.load %arg2[%get3A_313, %get3A_314, %get3A_315] : memref<4x8x1024xf32, #tpu.memory_space<vmem>>, vector<1x8x1024xf32>
      %get3A_317 = vector.shape_cast %get3A_316 : vector<1x8x1024xf32> to vector<8x1024xf32>
      %sub3A_318 = vector.broadcast %scan3A_165 : vector<1x1xf32> to vector<8x1024xf32>
      %sub3A_319 = arith.subf %get3A_307, %sub3A_318 : vector<8x1024xf32>
      %sub3A_320 = vector.broadcast %scan3A_166 : vector<1x1xf32> to vector<8x1024xf32>
      %sub3A_321 = arith.subf %get3A_312, %sub3A_320 : vector<8x1024xf32>
      %sub3A_322 = vector.broadcast %scan3A_167 : vector<1x1xf32> to vector<8x1024xf32>
      %sub3A_323 = arith.subf %get3A_317, %sub3A_322 : vector<8x1024xf32>
      %mul3A_324 = arith.mulf %sub3A_319, %sub3A_319 : vector<8x1024xf32>
      %mul3A_325 = arith.mulf %sub3A_321, %sub3A_321 : vector<8x1024xf32>
      %add3A_326 = arith.addf %mul3A_324, %mul3A_325 : vector<8x1024xf32>
      %mul3A_327 = arith.mulf %sub3A_323, %sub3A_323 : vector<8x1024xf32>
      %add3A_328 = arith.addf %add3A_326, %mul3A_327 : vector<8x1024xf32>
      %min3A_329 = arith.minimumf %scan3A_175, %add3A_328 : vector<8x1024xf32>
      %broadcast_in_dim3A_330 = vector.shape_cast %scan3A_165 : vector<1x1xf32> to vector<1x1xf32>
      %broadcast_in_dim3A_331 = vector.broadcast %broadcast_in_dim3A_330 : vector<1x1xf32> to vector<8x128xf32>
      %select_n3A_332 = arith.select %and3A_224, %broadcast_in_dim3A_331, %scan3A_181 : vector<8x128xi1>, vector<8x128xf32>
      %broadcast_in_dim3A_333 = vector.shape_cast %scan3A_166 : vector<1x1xf32> to vector<1x1xf32>
      %broadcast_in_dim3A_334 = vector.broadcast %broadcast_in_dim3A_333 : vector<1x1xf32> to vector<8x128xf32>
      %select_n3A_335 = arith.select %and3A_224, %broadcast_in_dim3A_334, %scan3A_182 : vector<8x128xi1>, vector<8x128xf32>
      %broadcast_in_dim3A_336 = vector.shape_cast %scan3A_167 : vector<1x1xf32> to vector<1x1xf32>
      %broadcast_in_dim3A_337 = vector.broadcast %broadcast_in_dim3A_336 : vector<1x1xf32> to vector<8x128xf32>
      %select_n3A_338 = arith.select %and3A_224, %broadcast_in_dim3A_337, %scan3A_183 : vector<8x128xi1>, vector<8x128xf32>
      %reduce_max3A_339 = vector.shape_cast %min3A_329 : vector<8x1024xf32> to vector<1x8x1024xf32>
      %reduce_max3A_340 = arith.constant dense<0xFF800000> : vector<1xf32>
      %reduce_max3A_341 = vector.multi_reduction <maximumf>, %reduce_max3A_339, %reduce_max3A_340 [1, 2] : vector<1x8x1024xf32> to vector<1xf32>
      %reduce_max3A_342 = vector.shape_cast %reduce_max3A_341 : vector<1xf32> to vector<1x1x1xf32>
      %reduce_max3A_343 = vector.extract %reduce_max3A_342[0, 0, 0] : f32 from vector<1x1x1xf32>
      %broadcast_in_dim3A_344 = vector.broadcast %reduce_max3A_343 : f32 to vector<1x1xf32>
      %eq3A_345 = vector.broadcast %broadcast_in_dim3A_344 : vector<1x1xf32> to vector<8x1024xf32>
      %eq3A_346 = arith.cmpf oeq, %min3A_329, %eq3A_345 : vector<8x1024xf32>
      %jit3A_347 = arith.constant 8192 : i32
      %broadcast_in_dim3A_348 = vector.broadcast %jit3A_347 : i32 to vector<8x1024xi32>
      %select_n3A_349 = arith.select %eq3A_346, %add3A, %broadcast_in_dim3A_348 : vector<8x1024xi1>, vector<8x1024xi32>
      %reduce_min3A_350 = vector.shape_cast %select_n3A_349 : vector<8x1024xi32> to vector<1x8x1024xi32>
      %reduce_min3A_351 = arith.constant dense<2147483647> : vector<1xi32>
      %reduce_min3A_352 = vector.multi_reduction <minsi>, %reduce_min3A_350, %reduce_min3A_351 [1, 2] : vector<1x8x1024xi32> to vector<1xi32>
      %reduce_min3A_353 = vector.shape_cast %reduce_min3A_352 : vector<1xi32> to vector<1x1x1xi32>
      %reduce_min3A_354 = vector.extract %reduce_min3A_353[0, 0, 0] : i32 from vector<1x1x1xi32>
      %broadcast_in_dim3A_355 = vector.broadcast %reduce_min3A_354 : i32 to vector<1x1xi32>
      %eq3A_356 = vector.broadcast %broadcast_in_dim3A_355 : vector<1x1xi32> to vector<8x1024xi32>
      %eq3A_357 = arith.cmpi eq, %add3A, %eq3A_356 : vector<8x1024xi32>
      %jit3A_358 = arith.constant 0.000000e+00 : f32
      %broadcast_in_dim3A_359 = vector.broadcast %jit3A_358 : f32 to vector<8x1024xf32>
      %select_n3A_360 = arith.select %eq3A_357, %get3A_307, %broadcast_in_dim3A_359 : vector<8x1024xi1>, vector<8x1024xf32>
      %reduce_sum3A_361 = vector.shape_cast %select_n3A_360 : vector<8x1024xf32> to vector<1x8x1024xf32>
      %reduce_sum3A_362 = arith.constant dense<0.000000e+00> : vector<1xf32>
      %reduce_sum3A_363 = vector.multi_reduction <add>, %reduce_sum3A_361, %reduce_sum3A_362 [1, 2] : vector<1x8x1024xf32> to vector<1xf32>
      %reduce_sum3A_364 = vector.shape_cast %reduce_sum3A_363 : vector<1xf32> to vector<1x1x1xf32>
      %reduce_sum3A_365 = vector.extract %reduce_sum3A_364[0, 0, 0] : f32 from vector<1x1x1xf32>
      %broadcast_in_dim3A_366 = vector.broadcast %reduce_sum3A_365 : f32 to vector<1x1xf32>
      %jit3A_367 = arith.constant 0.000000e+00 : f32
      %broadcast_in_dim3A_368 = vector.broadcast %jit3A_367 : f32 to vector<8x1024xf32>
      %select_n3A_369 = arith.select %eq3A_357, %get3A_312, %broadcast_in_dim3A_368 : vector<8x1024xi1>, vector<8x1024xf32>
      %reduce_sum3A_370 = vector.shape_cast %select_n3A_369 : vector<8x1024xf32> to vector<1x8x1024xf32>
      %reduce_sum3A_371 = arith.constant dense<0.000000e+00> : vector<1xf32>
      %reduce_sum3A_372 = vector.multi_reduction <add>, %reduce_sum3A_370, %reduce_sum3A_371 [1, 2] : vector<1x8x1024xf32> to vector<1xf32>
      %reduce_sum3A_373 = vector.shape_cast %reduce_sum3A_372 : vector<1xf32> to vector<1x1x1xf32>
      %reduce_sum3A_374 = vector.extract %reduce_sum3A_373[0, 0, 0] : f32 from vector<1x1x1xf32>
      %broadcast_in_dim3A_375 = vector.broadcast %reduce_sum3A_374 : f32 to vector<1x1xf32>
      %jit3A_376 = arith.constant 0.000000e+00 : f32
      %broadcast_in_dim3A_377 = vector.broadcast %jit3A_376 : f32 to vector<8x1024xf32>
      %select_n3A_378 = arith.select %eq3A_357, %get3A_317, %broadcast_in_dim3A_377 : vector<8x1024xi1>, vector<8x1024xf32>
      %reduce_sum3A_379 = vector.shape_cast %select_n3A_378 : vector<8x1024xf32> to vector<1x8x1024xf32>
      %reduce_sum3A_380 = arith.constant dense<0.000000e+00> : vector<1xf32>
      %reduce_sum3A_381 = vector.multi_reduction <add>, %reduce_sum3A_379, %reduce_sum3A_380 [1, 2] : vector<1x8x1024xf32> to vector<1xf32>
      %reduce_sum3A_382 = vector.shape_cast %reduce_sum3A_381 : vector<1xf32> to vector<1x1x1xf32>
      %reduce_sum3A_383 = vector.extract %reduce_sum3A_382[0, 0, 0] : f32 from vector<1x1x1xf32>
      %broadcast_in_dim3A_384 = vector.broadcast %reduce_sum3A_383 : f32 to vector<1x1xf32>
      %get3A_385 = arith.constant 2 : index
      %get3A_386 = arith.constant 0 : index
      %get3A_387 = arith.constant 0 : index
      %get3A_388 = vector.load %arg0[%get3A_385, %get3A_386, %get3A_387] : memref<4x8x1024xf32, #tpu.memory_space<vmem>>, vector<1x8x1024xf32>
      %get3A_389 = vector.shape_cast %get3A_388 : vector<1x8x1024xf32> to vector<8x1024xf32>
      %get3A_390 = arith.constant 2 : index
      %get3A_391 = arith.constant 0 : index
      %get3A_392 = arith.constant 0 : index
      %get3A_393 = vector.load %arg1[%get3A_390, %get3A_391, %get3A_392] : memref<4x8x1024xf32, #tpu.memory_space<vmem>>, vector<1x8x1024xf32>
      %get3A_394 = vector.shape_cast %get3A_393 : vector<1x8x1024xf32> to vector<8x1024xf32>
      %get3A_395 = arith.constant 2 : index
      %get3A_396 = arith.constant 0 : index
      %get3A_397 = arith.constant 0 : index
      %get3A_398 = vector.load %arg2[%get3A_395, %get3A_396, %get3A_397] : memref<4x8x1024xf32, #tpu.memory_space<vmem>>, vector<1x8x1024xf32>
      %get3A_399 = vector.shape_cast %get3A_398 : vector<1x8x1024xf32> to vector<8x1024xf32>
      %sub3A_400 = vector.broadcast %scan3A_168 : vector<1x1xf32> to vector<8x1024xf32>
      %sub3A_401 = arith.subf %get3A_389, %sub3A_400 : vector<8x1024xf32>
      %sub3A_402 = vector.broadcast %scan3A_169 : vector<1x1xf32> to vector<8x1024xf32>
      %sub3A_403 = arith.subf %get3A_394, %sub3A_402 : vector<8x1024xf32>
      %sub3A_404 = vector.broadcast %scan3A_170 : vector<1x1xf32> to vector<8x1024xf32>
      %sub3A_405 = arith.subf %get3A_399, %sub3A_404 : vector<8x1024xf32>
      %mul3A_406 = arith.mulf %sub3A_401, %sub3A_401 : vector<8x1024xf32>
      %mul3A_407 = arith.mulf %sub3A_403, %sub3A_403 : vector<8x1024xf32>
      %add3A_408 = arith.addf %mul3A_406, %mul3A_407 : vector<8x1024xf32>
      %mul3A_409 = arith.mulf %sub3A_405, %sub3A_405 : vector<8x1024xf32>
      %add3A_410 = arith.addf %add3A_408, %mul3A_409 : vector<8x1024xf32>
      %min3A_411 = arith.minimumf %scan3A_176, %add3A_410 : vector<8x1024xf32>
      %broadcast_in_dim3A_412 = vector.shape_cast %scan3A_168 : vector<1x1xf32> to vector<1x1xf32>
      %broadcast_in_dim3A_413 = vector.broadcast %broadcast_in_dim3A_412 : vector<1x1xf32> to vector<8x128xf32>
      %select_n3A_414 = arith.select %and3A_224, %broadcast_in_dim3A_413, %scan3A_184 : vector<8x128xi1>, vector<8x128xf32>
      %broadcast_in_dim3A_415 = vector.shape_cast %scan3A_169 : vector<1x1xf32> to vector<1x1xf32>
      %broadcast_in_dim3A_416 = vector.broadcast %broadcast_in_dim3A_415 : vector<1x1xf32> to vector<8x128xf32>
      %select_n3A_417 = arith.select %and3A_224, %broadcast_in_dim3A_416, %scan3A_185 : vector<8x128xi1>, vector<8x128xf32>
      %broadcast_in_dim3A_418 = vector.shape_cast %scan3A_170 : vector<1x1xf32> to vector<1x1xf32>
      %broadcast_in_dim3A_419 = vector.broadcast %broadcast_in_dim3A_418 : vector<1x1xf32> to vector<8x128xf32>
      %select_n3A_420 = arith.select %and3A_224, %broadcast_in_dim3A_419, %scan3A_186 : vector<8x128xi1>, vector<8x128xf32>
      %reduce_max3A_421 = vector.shape_cast %min3A_411 : vector<8x1024xf32> to vector<1x8x1024xf32>
      %reduce_max3A_422 = arith.constant dense<0xFF800000> : vector<1xf32>
      %reduce_max3A_423 = vector.multi_reduction <maximumf>, %reduce_max3A_421, %reduce_max3A_422 [1, 2] : vector<1x8x1024xf32> to vector<1xf32>
      %reduce_max3A_424 = vector.shape_cast %reduce_max3A_423 : vector<1xf32> to vector<1x1x1xf32>
      %reduce_max3A_425 = vector.extract %reduce_max3A_424[0, 0, 0] : f32 from vector<1x1x1xf32>
      %broadcast_in_dim3A_426 = vector.broadcast %reduce_max3A_425 : f32 to vector<1x1xf32>
      %eq3A_427 = vector.broadcast %broadcast_in_dim3A_426 : vector<1x1xf32> to vector<8x1024xf32>
      %eq3A_428 = arith.cmpf oeq, %min3A_411, %eq3A_427 : vector<8x1024xf32>
      %jit3A_429 = arith.constant 8192 : i32
      %broadcast_in_dim3A_430 = vector.broadcast %jit3A_429 : i32 to vector<8x1024xi32>
      %select_n3A_431 = arith.select %eq3A_428, %add3A, %broadcast_in_dim3A_430 : vector<8x1024xi1>, vector<8x1024xi32>
      %reduce_min3A_432 = vector.shape_cast %select_n3A_431 : vector<8x1024xi32> to vector<1x8x1024xi32>
      %reduce_min3A_433 = arith.constant dense<2147483647> : vector<1xi32>
      %reduce_min3A_434 = vector.multi_reduction <minsi>, %reduce_min3A_432, %reduce_min3A_433 [1, 2] : vector<1x8x1024xi32> to vector<1xi32>
      %reduce_min3A_435 = vector.shape_cast %reduce_min3A_434 : vector<1xi32> to vector<1x1x1xi32>
      %reduce_min3A_436 = vector.extract %reduce_min3A_435[0, 0, 0] : i32 from vector<1x1x1xi32>
      %broadcast_in_dim3A_437 = vector.broadcast %reduce_min3A_436 : i32 to vector<1x1xi32>
      %eq3A_438 = vector.broadcast %broadcast_in_dim3A_437 : vector<1x1xi32> to vector<8x1024xi32>
      %eq3A_439 = arith.cmpi eq, %add3A, %eq3A_438 : vector<8x1024xi32>
      %jit3A_440 = arith.constant 0.000000e+00 : f32
      %broadcast_in_dim3A_441 = vector.broadcast %jit3A_440 : f32 to vector<8x1024xf32>
      %select_n3A_442 = arith.select %eq3A_439, %get3A_389, %broadcast_in_dim3A_441 : vector<8x1024xi1>, vector<8x1024xf32>
      %reduce_sum3A_443 = vector.shape_cast %select_n3A_442 : vector<8x1024xf32> to vector<1x8x1024xf32>
      %reduce_sum3A_444 = arith.constant dense<0.000000e+00> : vector<1xf32>
      %reduce_sum3A_445 = vector.multi_reduction <add>, %reduce_sum3A_443, %reduce_sum3A_444 [1, 2] : vector<1x8x1024xf32> to vector<1xf32>
      %reduce_sum3A_446 = vector.shape_cast %reduce_sum3A_445 : vector<1xf32> to vector<1x1x1xf32>
      %reduce_sum3A_447 = vector.extract %reduce_sum3A_446[0, 0, 0] : f32 from vector<1x1x1xf32>
      %broadcast_in_dim3A_448 = vector.broadcast %reduce_sum3A_447 : f32 to vector<1x1xf32>
      %jit3A_449 = arith.constant 0.000000e+00 : f32
      %broadcast_in_dim3A_450 = vector.broadcast %jit3A_449 : f32 to vector<8x1024xf32>
      %select_n3A_451 = arith.select %eq3A_439, %get3A_394, %broadcast_in_dim3A_450 : vector<8x1024xi1>, vector<8x1024xf32>
      %reduce_sum3A_452 = vector.shape_cast %select_n3A_451 : vector<8x1024xf32> to vector<1x8x1024xf32>
      %reduce_sum3A_453 = arith.constant dense<0.000000e+00> : vector<1xf32>
      %reduce_sum3A_454 = vector.multi_reduction <add>, %reduce_sum3A_452, %reduce_sum3A_453 [1, 2] : vector<1x8x1024xf32> to vector<1xf32>
      %reduce_sum3A_455 = vector.shape_cast %reduce_sum3A_454 : vector<1xf32> to vector<1x1x1xf32>
      %reduce_sum3A_456 = vector.extract %reduce_sum3A_455[0, 0, 0] : f32 from vector<1x1x1xf32>
      %broadcast_in_dim3A_457 = vector.broadcast %reduce_sum3A_456 : f32 to vector<1x1xf32>
      %jit3A_458 = arith.constant 0.000000e+00 : f32
      %broadcast_in_dim3A_459 = vector.broadcast %jit3A_458 : f32 to vector<8x1024xf32>
      %select_n3A_460 = arith.select %eq3A_439, %get3A_399, %broadcast_in_dim3A_459 : vector<8x1024xi1>, vector<8x1024xf32>
      %reduce_sum3A_461 = vector.shape_cast %select_n3A_460 : vector<8x1024xf32> to vector<1x8x1024xf32>
      %reduce_sum3A_462 = arith.constant dense<0.000000e+00> : vector<1xf32>
      %reduce_sum3A_463 = vector.multi_reduction <add>, %reduce_sum3A_461, %reduce_sum3A_462 [1, 2] : vector<1x8x1024xf32> to vector<1xf32>
      %reduce_sum3A_464 = vector.shape_cast %reduce_sum3A_463 : vector<1xf32> to vector<1x1x1xf32>
      %reduce_sum3A_465 = vector.extract %reduce_sum3A_464[0, 0, 0] : f32 from vector<1x1x1xf32>
      %broadcast_in_dim3A_466 = vector.broadcast %reduce_sum3A_465 : f32 to vector<1x1xf32>
      %get3A_467 = arith.constant 3 : index
      %get3A_468 = arith.constant 0 : index
      %get3A_469 = arith.constant 0 : index
      %get3A_470 = vector.load %arg0[%get3A_467, %get3A_468, %get3A_469] : memref<4x8x1024xf32, #tpu.memory_space<vmem>>, vector<1x8x1024xf32>
      %get3A_471 = vector.shape_cast %get3A_470 : vector<1x8x1024xf32> to vector<8x1024xf32>
      %get3A_472 = arith.constant 3 : index
      %get3A_473 = arith.constant 0 : index
      %get3A_474 = arith.constant 0 : index
      %get3A_475 = vector.load %arg1[%get3A_472, %get3A_473, %get3A_474] : memref<4x8x1024xf32, #tpu.memory_space<vmem>>, vector<1x8x1024xf32>
      %get3A_476 = vector.shape_cast %get3A_475 : vector<1x8x1024xf32> to vector<8x1024xf32>
      %get3A_477 = arith.constant 3 : index
      %get3A_478 = arith.constant 0 : index
      %get3A_479 = arith.constant 0 : index
      %get3A_480 = vector.load %arg2[%get3A_477, %get3A_478, %get3A_479] : memref<4x8x1024xf32, #tpu.memory_space<vmem>>, vector<1x8x1024xf32>
      %get3A_481 = vector.shape_cast %get3A_480 : vector<1x8x1024xf32> to vector<8x1024xf32>
      %sub3A_482 = vector.broadcast %scan3A_171 : vector<1x1xf32> to vector<8x1024xf32>
      %sub3A_483 = arith.subf %get3A_471, %sub3A_482 : vector<8x1024xf32>
      %sub3A_484 = vector.broadcast %scan3A_172 : vector<1x1xf32> to vector<8x1024xf32>
      %sub3A_485 = arith.subf %get3A_476, %sub3A_484 : vector<8x1024xf32>
      %sub3A_486 = vector.broadcast %scan3A_173 : vector<1x1xf32> to vector<8x1024xf32>
      %sub3A_487 = arith.subf %get3A_481, %sub3A_486 : vector<8x1024xf32>
      %mul3A_488 = arith.mulf %sub3A_483, %sub3A_483 : vector<8x1024xf32>
      %mul3A_489 = arith.mulf %sub3A_485, %sub3A_485 : vector<8x1024xf32>
      %add3A_490 = arith.addf %mul3A_488, %mul3A_489 : vector<8x1024xf32>
      %mul3A_491 = arith.mulf %sub3A_487, %sub3A_487 : vector<8x1024xf32>
      %add3A_492 = arith.addf %add3A_490, %mul3A_491 : vector<8x1024xf32>
      %min3A_493 = arith.minimumf %scan3A_177, %add3A_492 : vector<8x1024xf32>
      %broadcast_in_dim3A_494 = vector.shape_cast %scan3A_171 : vector<1x1xf32> to vector<1x1xf32>
      %broadcast_in_dim3A_495 = vector.broadcast %broadcast_in_dim3A_494 : vector<1x1xf32> to vector<8x128xf32>
      %select_n3A_496 = arith.select %and3A_224, %broadcast_in_dim3A_495, %scan3A_187 : vector<8x128xi1>, vector<8x128xf32>
      %broadcast_in_dim3A_497 = vector.shape_cast %scan3A_172 : vector<1x1xf32> to vector<1x1xf32>
      %broadcast_in_dim3A_498 = vector.broadcast %broadcast_in_dim3A_497 : vector<1x1xf32> to vector<8x128xf32>
      %select_n3A_499 = arith.select %and3A_224, %broadcast_in_dim3A_498, %scan3A_188 : vector<8x128xi1>, vector<8x128xf32>
      %broadcast_in_dim3A_500 = vector.shape_cast %scan3A_173 : vector<1x1xf32> to vector<1x1xf32>
      %broadcast_in_dim3A_501 = vector.broadcast %broadcast_in_dim3A_500 : vector<1x1xf32> to vector<8x128xf32>
      %select_n3A_502 = arith.select %and3A_224, %broadcast_in_dim3A_501, %scan3A_189 : vector<8x128xi1>, vector<8x128xf32>
      %reduce_max3A_503 = vector.shape_cast %min3A_493 : vector<8x1024xf32> to vector<1x8x1024xf32>
      %reduce_max3A_504 = arith.constant dense<0xFF800000> : vector<1xf32>
      %reduce_max3A_505 = vector.multi_reduction <maximumf>, %reduce_max3A_503, %reduce_max3A_504 [1, 2] : vector<1x8x1024xf32> to vector<1xf32>
      %reduce_max3A_506 = vector.shape_cast %reduce_max3A_505 : vector<1xf32> to vector<1x1x1xf32>
      %reduce_max3A_507 = vector.extract %reduce_max3A_506[0, 0, 0] : f32 from vector<1x1x1xf32>
      %broadcast_in_dim3A_508 = vector.broadcast %reduce_max3A_507 : f32 to vector<1x1xf32>
      %eq3A_509 = vector.broadcast %broadcast_in_dim3A_508 : vector<1x1xf32> to vector<8x1024xf32>
      %eq3A_510 = arith.cmpf oeq, %min3A_493, %eq3A_509 : vector<8x1024xf32>
      %jit3A_511 = arith.constant 8192 : i32
      %broadcast_in_dim3A_512 = vector.broadcast %jit3A_511 : i32 to vector<8x1024xi32>
      %select_n3A_513 = arith.select %eq3A_510, %add3A, %broadcast_in_dim3A_512 : vector<8x1024xi1>, vector<8x1024xi32>
      %reduce_min3A_514 = vector.shape_cast %select_n3A_513 : vector<8x1024xi32> to vector<1x8x1024xi32>
      %reduce_min3A_515 = arith.constant dense<2147483647> : vector<1xi32>
      %reduce_min3A_516 = vector.multi_reduction <minsi>, %reduce_min3A_514, %reduce_min3A_515 [1, 2] : vector<1x8x1024xi32> to vector<1xi32>
      %reduce_min3A_517 = vector.shape_cast %reduce_min3A_516 : vector<1xi32> to vector<1x1x1xi32>
      %reduce_min3A_518 = vector.extract %reduce_min3A_517[0, 0, 0] : i32 from vector<1x1x1xi32>
      %broadcast_in_dim3A_519 = vector.broadcast %reduce_min3A_518 : i32 to vector<1x1xi32>
      %eq3A_520 = vector.broadcast %broadcast_in_dim3A_519 : vector<1x1xi32> to vector<8x1024xi32>
      %eq3A_521 = arith.cmpi eq, %add3A, %eq3A_520 : vector<8x1024xi32>
      %jit3A_522 = arith.constant 0.000000e+00 : f32
      %broadcast_in_dim3A_523 = vector.broadcast %jit3A_522 : f32 to vector<8x1024xf32>
      %select_n3A_524 = arith.select %eq3A_521, %get3A_471, %broadcast_in_dim3A_523 : vector<8x1024xi1>, vector<8x1024xf32>
      %reduce_sum3A_525 = vector.shape_cast %select_n3A_524 : vector<8x1024xf32> to vector<1x8x1024xf32>
      %reduce_sum3A_526 = arith.constant dense<0.000000e+00> : vector<1xf32>
      %reduce_sum3A_527 = vector.multi_reduction <add>, %reduce_sum3A_525, %reduce_sum3A_526 [1, 2] : vector<1x8x1024xf32> to vector<1xf32>
      %reduce_sum3A_528 = vector.shape_cast %reduce_sum3A_527 : vector<1xf32> to vector<1x1x1xf32>
      %reduce_sum3A_529 = vector.extract %reduce_sum3A_528[0, 0, 0] : f32 from vector<1x1x1xf32>
      %broadcast_in_dim3A_530 = vector.broadcast %reduce_sum3A_529 : f32 to vector<1x1xf32>
      %jit3A_531 = arith.constant 0.000000e+00 : f32
      %broadcast_in_dim3A_532 = vector.broadcast %jit3A_531 : f32 to vector<8x1024xf32>
      %select_n3A_533 = arith.select %eq3A_521, %get3A_476, %broadcast_in_dim3A_532 : vector<8x1024xi1>, vector<8x1024xf32>
      %reduce_sum3A_534 = vector.shape_cast %select_n3A_533 : vector<8x1024xf32> to vector<1x8x1024xf32>
      %reduce_sum3A_535 = arith.constant dense<0.000000e+00> : vector<1xf32>
      %reduce_sum3A_536 = vector.multi_reduction <add>, %reduce_sum3A_534, %reduce_sum3A_535 [1, 2] : vector<1x8x1024xf32> to vector<1xf32>
      %reduce_sum3A_537 = vector.shape_cast %reduce_sum3A_536 : vector<1xf32> to vector<1x1x1xf32>
      %reduce_sum3A_538 = vector.extract %reduce_sum3A_537[0, 0, 0] : f32 from vector<1x1x1xf32>
      %broadcast_in_dim3A_539 = vector.broadcast %reduce_sum3A_538 : f32 to vector<1x1xf32>
      %jit3A_540 = arith.constant 0.000000e+00 : f32
      %broadcast_in_dim3A_541 = vector.broadcast %jit3A_540 : f32 to vector<8x1024xf32>
      %select_n3A_542 = arith.select %eq3A_521, %get3A_481, %broadcast_in_dim3A_541 : vector<8x1024xi1>, vector<8x1024xf32>
      %reduce_sum3A_543 = vector.shape_cast %select_n3A_542 : vector<8x1024xf32> to vector<1x8x1024xf32>
      %reduce_sum3A_544 = arith.constant dense<0.000000e+00> : vector<1xf32>
      %reduce_sum3A_545 = vector.multi_reduction <add>, %reduce_sum3A_543, %reduce_sum3A_544 [1, 2] : vector<1x8x1024xf32> to vector<1xf32>
      %reduce_sum3A_546 = vector.shape_cast %reduce_sum3A_545 : vector<1xf32> to vector<1x1x1xf32>
      %reduce_sum3A_547 = vector.extract %reduce_sum3A_546[0, 0, 0] : f32 from vector<1x1x1xf32>
      %broadcast_in_dim3A_548 = vector.broadcast %reduce_sum3A_547 : f32 to vector<1x1xf32>
      scf.yield %broadcast_in_dim3A_284, %broadcast_in_dim3A_293, %broadcast_in_dim3A_302, %broadcast_in_dim3A_366, %broadcast_in_dim3A_375, %broadcast_in_dim3A_384, %broadcast_in_dim3A_448, %broadcast_in_dim3A_457, %broadcast_in_dim3A_466, %broadcast_in_dim3A_530, %broadcast_in_dim3A_539, %broadcast_in_dim3A_548, %min3A, %min3A_329, %min3A_411, %min3A_493, %select_n3A_253, %select_n3A_256, %select_n3A_259, %select_n3A_332, %select_n3A_335, %select_n3A_338, %select_n3A_414, %select_n3A_417, %select_n3A_420, %select_n3A_496, %select_n3A_499, %select_n3A_502 : vector<1x1xf32>, vector<1x1xf32>, vector<1x1xf32>, vector<1x1xf32>, vector<1x1xf32>, vector<1x1xf32>, vector<1x1xf32>, vector<1x1xf32>, vector<1x1xf32>, vector<1x1xf32>, vector<1x1xf32>, vector<1x1xf32>, vector<8x1024xf32>, vector<8x1024xf32>, vector<8x1024xf32>, vector<8x1024xf32>, vector<8x128xf32>, vector<8x128xf32>, vector<8x128xf32>, vector<8x128xf32>, vector<8x128xf32>, vector<8x128xf32>, vector<8x128xf32>, vector<8x128xf32>, vector<8x128xf32>, vector<8x128xf32>, vector<8x128xf32>, vector<8x128xf32>
    }
    %scan3A_77 = arith.constant 1024 : i32
    %swap3A = arith.constant 0 : index
    %swap3A_78 = arith.constant 0 : index
    %swap3A_79 = arith.constant 0 : index
    %swap3A_80 = arith.constant 0 : index
    %swap3A_81 = vector.load %arg3[%swap3A, %swap3A_78, %swap3A_79, %swap3A_80] : memref<4x3x8x128xf32, #tpu.memory_space<vmem>>, vector<1x1x8x128xf32>
    %swap3A_82 = vector.shape_cast %swap3A_81 : vector<1x1x8x128xf32> to vector<8x128xf32>
    %swap3A_83 = vector.shape_cast %scan3A_76#16 : vector<8x128xf32> to vector<1x1x8x128xf32>
    tpu.vector_store %arg3[%swap3A, %swap3A_78, %swap3A_79, %swap3A_80], %swap3A_83 {strides = array<i32>} : memref<4x3x8x128xf32, #tpu.memory_space<vmem>>, vector<1x1x8x128xf32>,
    %swap3A_84 = arith.constant 0 : index
    %swap3A_85 = arith.constant 1 : index
    %swap3A_86 = arith.constant 0 : index
    %swap3A_87 = arith.constant 0 : index
    %swap3A_88 = vector.load %arg3[%swap3A_84, %swap3A_85, %swap3A_86, %swap3A_87] : memref<4x3x8x128xf32, #tpu.memory_space<vmem>>, vector<1x1x8x128xf32>
    %swap3A_89 = vector.shape_cast %swap3A_88 : vector<1x1x8x128xf32> to vector<8x128xf32>
    %swap3A_90 = vector.shape_cast %scan3A_76#17 : vector<8x128xf32> to vector<1x1x8x128xf32>
    tpu.vector_store %arg3[%swap3A_84, %swap3A_85, %swap3A_86, %swap3A_87], %swap3A_90 {strides = array<i32>} : memref<4x3x8x128xf32, #tpu.memory_space<vmem>>, vector<1x1x8x128xf32>,
    %swap3A_91 = arith.constant 0 : index
    %swap3A_92 = arith.constant 2 : index
    %swap3A_93 = arith.constant 0 : index
    %swap3A_94 = arith.constant 0 : index
    %swap3A_95 = vector.load %arg3[%swap3A_91, %swap3A_92, %swap3A_93, %swap3A_94] : memref<4x3x8x128xf32, #tpu.memory_space<vmem>>, vector<1x1x8x128xf32>
    %swap3A_96 = vector.shape_cast %swap3A_95 : vector<1x1x8x128xf32> to vector<8x128xf32>
    %swap3A_97 = vector.shape_cast %scan3A_76#18 : vector<8x128xf32> to vector<1x1x8x128xf32>
    tpu.vector_store %arg3[%swap3A_91, %swap3A_92, %swap3A_93, %swap3A_94], %swap3A_97 {strides = array<i32>} : memref<4x3x8x128xf32, #tpu.memory_space<vmem>>, vector<1x1x8x128xf32>,
    %swap3A_98 = arith.constant 1 : index
    %swap3A_99 = arith.constant 0 : index
    %swap3A_100 = arith.constant 0 : index
    %swap3A_101 = arith.constant 0 : index
    %swap3A_102 = vector.load %arg3[%swap3A_98, %swap3A_99, %swap3A_100, %swap3A_101] : memref<4x3x8x128xf32, #tpu.memory_space<vmem>>, vector<1x1x8x128xf32>
    %swap3A_103 = vector.shape_cast %swap3A_102 : vector<1x1x8x128xf32> to vector<8x128xf32>
    %swap3A_104 = vector.shape_cast %scan3A_76#19 : vector<8x128xf32> to vector<1x1x8x128xf32>
    tpu.vector_store %arg3[%swap3A_98, %swap3A_99, %swap3A_100, %swap3A_101], %swap3A_104 {strides = array<i32>} : memref<4x3x8x128xf32, #tpu.memory_space<vmem>>, vector<1x1x8x128xf32>,
    %swap3A_105 = arith.constant 1 : index
    %swap3A_106 = arith.constant 1 : index
    %swap3A_107 = arith.constant 0 : index
    %swap3A_108 = arith.constant 0 : index
    %swap3A_109 = vector.load %arg3[%swap3A_105, %swap3A_106, %swap3A_107, %swap3A_108] : memref<4x3x8x128xf32, #tpu.memory_space<vmem>>, vector<1x1x8x128xf32>
    %swap3A_110 = vector.shape_cast %swap3A_109 : vector<1x1x8x128xf32> to vector<8x128xf32>
    %swap3A_111 = vector.shape_cast %scan3A_76#20 : vector<8x128xf32> to vector<1x1x8x128xf32>
    tpu.vector_store %arg3[%swap3A_105, %swap3A_106, %swap3A_107, %swap3A_108], %swap3A_111 {strides = array<i32>} : memref<4x3x8x128xf32, #tpu.memory_space<vmem>>, vector<1x1x8x128xf32>,
    %swap3A_112 = arith.constant 1 : index
    %swap3A_113 = arith.constant 2 : index
    %swap3A_114 = arith.constant 0 : index
    %swap3A_115 = arith.constant 0 : index
    %swap3A_116 = vector.load %arg3[%swap3A_112, %swap3A_113, %swap3A_114, %swap3A_115] : memref<4x3x8x128xf32, #tpu.memory_space<vmem>>, vector<1x1x8x128xf32>
    %swap3A_117 = vector.shape_cast %swap3A_116 : vector<1x1x8x128xf32> to vector<8x128xf32>
    %swap3A_118 = vector.shape_cast %scan3A_76#21 : vector<8x128xf32> to vector<1x1x8x128xf32>
    tpu.vector_store %arg3[%swap3A_112, %swap3A_113, %swap3A_114, %swap3A_115], %swap3A_118 {strides = array<i32>} : memref<4x3x8x128xf32, #tpu.memory_space<vmem>>, vector<1x1x8x128xf32>,
    %swap3A_119 = arith.constant 2 : index
    %swap3A_120 = arith.constant 0 : index
    %swap3A_121 = arith.constant 0 : index
    %swap3A_122 = arith.constant 0 : index
    %swap3A_123 = vector.load %arg3[%swap3A_119, %swap3A_120, %swap3A_121, %swap3A_122] : memref<4x3x8x128xf32, #tpu.memory_space<vmem>>, vector<1x1x8x128xf32>
    %swap3A_124 = vector.shape_cast %swap3A_123 : vector<1x1x8x128xf32> to vector<8x128xf32>
    %swap3A_125 = vector.shape_cast %scan3A_76#22 : vector<8x128xf32> to vector<1x1x8x128xf32>
    tpu.vector_store %arg3[%swap3A_119, %swap3A_120, %swap3A_121, %swap3A_122], %swap3A_125 {strides = array<i32>} : memref<4x3x8x128xf32, #tpu.memory_space<vmem>>, vector<1x1x8x128xf32>,
    %swap3A_126 = arith.constant 2 : index
    %swap3A_127 = arith.constant 1 : index
    %swap3A_128 = arith.constant 0 : index
    %swap3A_129 = arith.constant 0 : index
    %swap3A_130 = vector.load %arg3[%swap3A_126, %swap3A_127, %swap3A_128, %swap3A_129] : memref<4x3x8x128xf32, #tpu.memory_space<vmem>>, vector<1x1x8x128xf32>
    %swap3A_131 = vector.shape_cast %swap3A_130 : vector<1x1x8x128xf32> to vector<8x128xf32>
    %swap3A_132 = vector.shape_cast %scan3A_76#23 : vector<8x128xf32> to vector<1x1x8x128xf32>
    tpu.vector_store %arg3[%swap3A_126, %swap3A_127, %swap3A_128, %swap3A_129], %swap3A_132 {strides = array<i32>} : memref<4x3x8x128xf32, #tpu.memory_space<vmem>>, vector<1x1x8x128xf32>,
    %swap3A_133 = arith.constant 2 : index
    %swap3A_134 = arith.constant 2 : index
    %swap3A_135 = arith.constant 0 : index
    %swap3A_136 = arith.constant 0 : index
    %swap3A_137 = vector.load %arg3[%swap3A_133, %swap3A_134, %swap3A_135, %swap3A_136] : memref<4x3x8x128xf32, #tpu.memory_space<vmem>>, vector<1x1x8x128xf32>
    %swap3A_138 = vector.shape_cast %swap3A_137 : vector<1x1x8x128xf32> to vector<8x128xf32>
    %swap3A_139 = vector.shape_cast %scan3A_76#24 : vector<8x128xf32> to vector<1x1x8x128xf32>
    tpu.vector_store %arg3[%swap3A_133, %swap3A_134, %swap3A_135, %swap3A_136], %swap3A_139 {strides = array<i32>} : memref<4x3x8x128xf32, #tpu.memory_space<vmem>>, vector<1x1x8x128xf32>,
    %swap3A_140 = arith.constant 3 : index
    %swap3A_141 = arith.constant 0 : index
    %swap3A_142 = arith.constant 0 : index
    %swap3A_143 = arith.constant 0 : index
    %swap3A_144 = vector.load %arg3[%swap3A_140, %swap3A_141, %swap3A_142, %swap3A_143] : memref<4x3x8x128xf32, #tpu.memory_space<vmem>>, vector<1x1x8x128xf32>
    %swap3A_145 = vector.shape_cast %swap3A_144 : vector<1x1x8x128xf32> to vector<8x128xf32>
    %swap3A_146 = vector.shape_cast %scan3A_76#25 : vector<8x128xf32> to vector<1x1x8x128xf32>
    tpu.vector_store %arg3[%swap3A_140, %swap3A_141, %swap3A_142, %swap3A_143], %swap3A_146 {strides = array<i32>} : memref<4x3x8x128xf32, #tpu.memory_space<vmem>>, vector<1x1x8x128xf32>,
    %swap3A_147 = arith.constant 3 : index
    %swap3A_148 = arith.constant 1 : index
    %swap3A_149 = arith.constant 0 : index
    %swap3A_150 = arith.constant 0 : index
    %swap3A_151 = vector.load %arg3[%swap3A_147, %swap3A_148, %swap3A_149, %swap3A_150] : memref<4x3x8x128xf32, #tpu.memory_space<vmem>>, vector<1x1x8x128xf32>
    %swap3A_152 = vector.shape_cast %swap3A_151 : vector<1x1x8x128xf32> to vector<8x128xf32>
    %swap3A_153 = vector.shape_cast %scan3A_76#26 : vector<8x128xf32> to vector<1x1x8x128xf32>
    tpu.vector_store %arg3[%swap3A_147, %swap3A_148, %swap3A_149, %swap3A_150], %swap3A_153 {strides = array<i32>} : memref<4x3x8x128xf32, #tpu.memory_space<vmem>>, vector<1x1x8x128xf32>,
    %swap3A_154 = arith.constant 3 : index
    %swap3A_155 = arith.constant 2 : index
    %swap3A_156 = arith.constant 0 : index
    %swap3A_157 = arith.constant 0 : index
    %swap3A_158 = vector.load %arg3[%swap3A_154, %swap3A_155, %swap3A_156, %swap3A_157] : memref<4x3x8x128xf32, #tpu.memory_space<vmem>>, vector<1x1x8x128xf32>
    %swap3A_159 = vector.shape_cast %swap3A_158 : vector<1x1x8x128xf32> to vector<8x128xf32>
    %swap3A_160 = vector.shape_cast %scan3A_76#27 : vector<8x128xf32> to vector<1x1x8x128xf32>
    tpu.vector_store %arg3[%swap3A_154, %swap3A_155, %swap3A_156, %swap3A_157], %swap3A_160 {strides = array<i32>} : memref<4x3x8x128xf32, #tpu.memory_space<vmem>>, vector<1x1x8x128xf32>,
    return
  }
}

module attributes {stable_mosaic.version = 14 : i64} {
  func.func @_pre_body(%arg0: i32, %arg1: memref<1x8192x3xf32, #tpu.memory_space<vmem>>, %arg2: memref<1x8192x16xf32, #tpu.memory_space<vmem>>, %arg3: memref<32x19xf32, #tpu.memory_space<vmem>>, %arg4: memref<32x19xf32, #tpu.memory_space<vmem>>, %arg5: memref<1x8192x128xf32, #tpu.memory_space<vmem>>) attributes {dimension_semantics = [#tpu.dimension_semantics<arbitrary>], iteration_bounds = array<i64: 4>, scalar_prefetch = 0 : i64, scratch_operands = 0 : i64, tpu.core_type = #tpu.core_type<tc>, window_params = [{transform_indices = @transform_0, window_bounds = array<i64: 1, 8192, 3>}, {transform_indices = @transform_1, window_bounds = array<i64: 1, 8192, 16>}, {pipeline_mode = #tpu.pipeline_mode<synchronous>, transform_indices = @transform_2, window_bounds = array<i64: 32, 19>}, {pipeline_mode = #tpu.pipeline_mode<synchronous>, transform_indices = @transform_3, window_bounds = array<i64: 32, 19>}, {transform_indices = @transform_4, window_bounds = array<i64: 1, 8192, 128>}]} {
    %get3A = arith.constant 0 : index
    %get3A_0 = arith.constant 0 : index
    %get3A_1 = arith.constant 0 : index
    %get3A_2 = vector.load %arg1[%get3A, %get3A_0, %get3A_1] : memref<1x8192x3xf32, #tpu.memory_space<vmem>>, vector<1x8192x3xf32>
    %get3A_3 = vector.shape_cast %get3A_2 : vector<1x8192x3xf32> to vector<8192x3xf32>
    %get3A_4 = arith.constant 0 : index
    %get3A_5 = arith.constant 0 : index
    %get3A_6 = arith.constant 0 : index
    %get3A_7 = vector.load %arg2[%get3A_4, %get3A_5, %get3A_6] : memref<1x8192x16xf32, #tpu.memory_space<vmem>>, vector<1x8192x16xf32>
    %get3A_8 = vector.shape_cast %get3A_7 : vector<1x8192x16xf32> to vector<8192x16xf32>
    %concatenate3A = tpu.concatenate %get3A_3, %get3A_8 in 1 : vector<8192x3xf32>, vector<8192x16xf32> -> vector<8192x19xf32>
    %get3A_9 = arith.constant 0 : index
    %get3A_10 = arith.constant 0 : index
    %get3A_11 = vector.load %arg3[%get3A_9, %get3A_10] : memref<32x19xf32, #tpu.memory_space<vmem>>, vector<32x19xf32>
    %dot_general3A = arith.constant dense<0.000000e+00> : vector<8192x32xf32>
    %dot_general3A_12 = tpu.matmul %concatenate3A, %get3A_11, %dot_general3A {dimension_numbers = #tpu.dot_dimension_numbers<[1], [1], [0], [0], [0, 0, 1, 0], [], []>, transpose_lhs_hint = false} : vector<8192x19xf32>, vector<32x19xf32>, vector<8192x32xf32> -> vector<8192x32xf32>
    %get3A_13 = arith.constant 0 : index
    %get3A_14 = arith.constant 0 : index
    %get3A_15 = vector.load %arg4[%get3A_13, %get3A_14] : memref<32x19xf32, #tpu.memory_space<vmem>>, vector<32x19xf32>
    %dot_general3A_16 = arith.constant dense<0.000000e+00> : vector<8192x32xf32>
    %dot_general3A_17 = tpu.matmul %concatenate3A, %get3A_15, %dot_general3A_16 {dimension_numbers = #tpu.dot_dimension_numbers<[1], [1], [0], [0], [0, 0, 1, 0], [], []>, transpose_lhs_hint = false} : vector<8192x19xf32>, vector<32x19xf32>, vector<8192x32xf32> -> vector<8192x32xf32>
    %swap3A = arith.constant 0 : index
    %swap3A_18 = arith.constant 0 : index
    %swap3A_19 = arith.constant 0 : index
    %swap3A_20 = vector.load %arg5[%swap3A, %swap3A_18, %swap3A_19] : memref<1x8192x128xf32, #tpu.memory_space<vmem>>, vector<1x8192x32xf32>
    %swap3A_21 = vector.shape_cast %swap3A_20 : vector<1x8192x32xf32> to vector<8192x32xf32>
    %swap3A_22 = vector.shape_cast %dot_general3A_12 : vector<8192x32xf32> to vector<1x8192x32xf32>
    tpu.vector_store %arg5[%swap3A, %swap3A_18, %swap3A_19], %swap3A_22 {strides = array<i32>} : memref<1x8192x128xf32, #tpu.memory_space<vmem>>, vector<1x8192x32xf32>,
    %swap3A_23 = arith.constant 0 : index
    %swap3A_24 = arith.constant 0 : index
    %swap3A_25 = arith.constant 32 : index
    %swap3A_26 = vector.load %arg5[%swap3A_23, %swap3A_24, %swap3A_25] : memref<1x8192x128xf32, #tpu.memory_space<vmem>>, vector<1x8192x32xf32>
    %swap3A_27 = vector.shape_cast %swap3A_26 : vector<1x8192x32xf32> to vector<8192x32xf32>
    %swap3A_28 = vector.shape_cast %dot_general3A_17 : vector<8192x32xf32> to vector<1x8192x32xf32>
    tpu.vector_store %arg5[%swap3A_23, %swap3A_24, %swap3A_25], %swap3A_28 {strides = array<i32>} : memref<1x8192x128xf32, #tpu.memory_space<vmem>>, vector<1x8192x32xf32>,
    return
  }
  func.func @transform_0(%arg0: i32) -> (i32, i32, i32) {
    %c0_i32 = arith.constant 0 : i32
    %c0_i32_0 = arith.constant 0 : i32
    %c0_i32_1 = arith.constant 0 : i32
    return %arg0, %c0_i32, %c0_i32_0 : i32, i32, i32
  }
  func.func @transform_1(%arg0: i32) -> (i32, i32, i32) {
    %c0_i32 = arith.constant 0 : i32
    %c0_i32_0 = arith.constant 0 : i32
    %c0_i32_1 = arith.constant 0 : i32
    return %arg0, %c0_i32, %c0_i32_0 : i32, i32, i32
  }
  func.func @transform_2(%arg0: i32) -> (i32, i32) {
    %c0_i32 = arith.constant 0 : i32
    %c0_i32_0 = arith.constant 0 : i32
    %c0_i32_1 = arith.constant 0 : i32
    return %c0_i32, %c0_i32_0 : i32, i32
  }
  func.func @transform_3(%arg0: i32) -> (i32, i32) {
    %c0_i32 = arith.constant 0 : i32
    %c0_i32_0 = arith.constant 0 : i32
    %c0_i32_1 = arith.constant 0 : i32
    return %c0_i32, %c0_i32_0 : i32, i32
  }
  func.func @transform_4(%arg0: i32) -> (i32, i32, i32) {
    %c0_i32 = arith.constant 0 : i32
    %c0_i32_0 = arith.constant 0 : i32
    %c0_i32_1 = arith.constant 0 : i32
    return %arg0, %c0_i32, %c0_i32_0 : i32, i32, i32
  }
}

module attributes {stable_mosaic.version = 14 : i64} {
  func.func @_mlp_body(%arg0: i32, %arg1: i32, %arg2: memref<1x256x16x128xf32, #tpu.memory_space<vmem>>, %arg3: memref<1x256x32x128xf32, #tpu.memory_space<vmem>>, %arg4: memref<1x3x256xf32, #tpu.memory_space<vmem>>, %arg5: memref<32x19xf32, #tpu.memory_space<vmem>>, %arg6: memref<1x32xf32, #tpu.memory_space<vmem>>, %arg7: memref<32x32xf32, #tpu.memory_space<vmem>>, %arg8: memref<1x32xf32, #tpu.memory_space<vmem>>, %arg9: memref<64x32xf32, #tpu.memory_space<vmem>>, %arg10: memref<1x64xf32, #tpu.memory_space<vmem>>, %arg11: memref<32x19xf32, #tpu.memory_space<vmem>>, %arg12: memref<1x32xf32, #tpu.memory_space<vmem>>, %arg13: memref<32x32xf32, #tpu.memory_space<vmem>>, %arg14: memref<1x32xf32, #tpu.memory_space<vmem>>, %arg15: memref<64x32xf32, #tpu.memory_space<vmem>>, %arg16: memref<1x64xf32, #tpu.memory_space<vmem>>, %arg17: memref<64x128xf32, #tpu.memory_space<vmem>>, %arg18: memref<1x64xf32, #tpu.memory_space<vmem>>, %arg19: memref<1x256x64xf32, #tpu.memory_space<vmem>>) attributes {dimension_semantics = [#tpu.dimension_semantics<arbitrary>, #tpu.dimension_semantics<arbitrary>], iteration_bounds = array<i64: 4, 4>, scalar_prefetch = 0 : i64, scratch_operands = 0 : i64, tpu.core_type = #tpu.core_type<tc>, window_params = [{transform_indices = @transform_0, window_bounds = array<i64: 1, 256, 16, 128>}, {transform_indices = @transform_1, window_bounds = array<i64: 1, 256, 32, 128>}, {transform_indices = @transform_2, window_bounds = array<i64: 1, 3, 256>}, {pipeline_mode = #tpu.pipeline_mode<synchronous>, transform_indices = @transform_3, window_bounds = array<i64: 32, 19>}, {pipeline_mode = #tpu.pipeline_mode<synchronous>, transform_indices = @transform_4, window_bounds = array<i64: 1, 32>}, {pipeline_mode = #tpu.pipeline_mode<synchronous>, transform_indices = @transform_5, window_bounds = array<i64: 32, 32>}, {pipeline_mode = #tpu.pipeline_mode<synchronous>, transform_indices = @transform_6, window_bounds = array<i64: 1, 32>}, {pipeline_mode = #tpu.pipeline_mode<synchronous>, transform_indices = @transform_7, window_bounds = array<i64: 64, 32>}, {pipeline_mode = #tpu.pipeline_mode<synchronous>, transform_indices = @transform_8, window_bounds = array<i64: 1, 64>}, {pipeline_mode = #tpu.pipeline_mode<synchronous>, transform_indices = @transform_9, window_bounds = array<i64: 32, 19>}, {pipeline_mode = #tpu.pipeline_mode<synchronous>, transform_indices = @transform_10, window_bounds = array<i64: 1, 32>}, {pipeline_mode = #tpu.pipeline_mode<synchronous>, transform_indices = @transform_11, window_bounds = array<i64: 32, 32>}, {pipeline_mode = #tpu.pipeline_mode<synchronous>, transform_indices = @transform_12, window_bounds = array<i64: 1, 32>}, {pipeline_mode = #tpu.pipeline_mode<synchronous>, transform_indices = @transform_13, window_bounds = array<i64: 64, 32>}, {pipeline_mode = #tpu.pipeline_mode<synchronous>, transform_indices = @transform_14, window_bounds = array<i64: 1, 64>}, {pipeline_mode = #tpu.pipeline_mode<synchronous>, transform_indices = @transform_15, window_bounds = array<i64: 64, 128>}, {pipeline_mode = #tpu.pipeline_mode<synchronous>, transform_indices = @transform_16, window_bounds = array<i64: 1, 64>}, {transform_indices = @transform_17, window_bounds = array<i64: 1, 256, 64>}]} {
    %get3A = arith.constant 0 : index
    %get3A_0 = arith.constant 0 : index
    %get3A_1 = arith.constant 0 : index
    %get3A_2 = vector.load %arg4[%get3A, %get3A_0, %get3A_1] : memref<1x3x256xf32, #tpu.memory_space<vmem>>, vector<1x3x256xf32>
    %get3A_3 = vector.shape_cast %get3A_2 : vector<1x3x256xf32> to vector<3x256xf32>
    %get3A_4 = arith.constant 0 : index
    %get3A_5 = arith.constant 0 : index
    %get3A_6 = arith.constant 0 : index
    %get3A_7 = arith.constant 0 : index
    %get3A_8 = vector.load %arg2[%get3A_4, %get3A_5, %get3A_6, %get3A_7] : memref<1x256x16x128xf32, #tpu.memory_space<vmem>>, vector<1x256x16x128xf32>
    %get3A_9 = vector.shape_cast %get3A_8 : vector<1x256x16x128xf32> to vector<256x16x128xf32>
    %slice3A = vector.extract_strided_slice %get3A_9 {offsets = [0, 0, 0], sizes = [256, 16, 32], strides = [1, 1, 1]} : vector<256x16x128xf32> to vector<256x16x32xf32>
    %get3A_10 = arith.constant 0 : index
    %get3A_11 = arith.constant 0 : index
    %get3A_12 = vector.load %arg5[%get3A_10, %get3A_11] : memref<32x19xf32, #tpu.memory_space<vmem>>, vector<32x19xf32>
    %slice3A_13 = vector.extract_strided_slice %get3A_12 {offsets = [0, 0], sizes = [32, 3], strides = [1, 1]} : vector<32x19xf32> to vector<32x3xf32>
    %dot_general3A = arith.constant dense<0.000000e+00> : vector<256x32xf32>
    %dot_general3A_14 = tpu.matmul %get3A_3, %slice3A_13, %dot_general3A {dimension_numbers = #tpu.dot_dimension_numbers<[0], [1], [1], [0], [0, 1, 1, 0], [], []>, transpose_lhs_hint = false} : vector<3x256xf32>, vector<32x3xf32>, vector<256x32xf32> -> vector<256x32xf32>
    %get3A_15 = arith.constant 0 : index
    %get3A_16 = arith.constant 0 : index
    %get3A_17 = vector.load %arg6[%get3A_15, %get3A_16] : memref<1x32xf32, #tpu.memory_space<vmem>>, vector<1x32xf32>
    %sub3A = vector.broadcast %get3A_17 : vector<1x32xf32> to vector<256x32xf32>
    %sub3A_18 = arith.subf %sub3A, %dot_general3A_14 : vector<256x32xf32>
    %broadcast_in_dim3A = vector.shape_cast %sub3A_18 : vector<256x32xf32> to vector<256x1x32xf32>
    %add3A = vector.broadcast %broadcast_in_dim3A : vector<256x1x32xf32> to vector<256x16x32xf32>
    %add3A_19 = arith.addf %slice3A, %add3A : vector<256x16x32xf32>
    %max3A = arith.constant 0.000000e+00 : f32
    %max3A_20 = vector.broadcast %max3A : f32 to vector<256x16x32xf32>
    %max3A_21 = arith.maximumf %add3A_19, %max3A_20 : vector<256x16x32xf32>
    %reshape3A = vector.shape_cast %max3A_21 : vector<256x16x32xf32> to vector<4096x32xf32>
    %get3A_22 = arith.constant 0 : index
    %get3A_23 = arith.constant 0 : index
    %get3A_24 = vector.load %arg7[%get3A_22, %get3A_23] : memref<32x32xf32, #tpu.memory_space<vmem>>, vector<32x32xf32>
    %dot_general3A_25 = arith.constant dense<0.000000e+00> : vector<4096x32xf32>
    %dot_general3A_26 = tpu.matmul %reshape3A, %get3A_24, %dot_general3A_25 {dimension_numbers = #tpu.dot_dimension_numbers<[1], [1], [0], [0], [0, 0, 1, 0], [], []>, transpose_lhs_hint = false} : vector<4096x32xf32>, vector<32x32xf32>, vector<4096x32xf32> -> vector<4096x32xf32>
    %get3A_27 = arith.constant 0 : index
    %get3A_28 = arith.constant 0 : index
    %get3A_29 = vector.load %arg8[%get3A_27, %get3A_28] : memref<1x32xf32, #tpu.memory_space<vmem>>, vector<1x32xf32>
    %add3A_30 = vector.broadcast %get3A_29 : vector<1x32xf32> to vector<4096x32xf32>
    %add3A_31 = arith.addf %dot_general3A_26, %add3A_30 : vector<4096x32xf32>
    %max3A_32 = arith.constant 0.000000e+00 : f32
    %max3A_33 = vector.broadcast %max3A_32 : f32 to vector<4096x32xf32>
    %max3A_34 = arith.maximumf %add3A_31, %max3A_33 : vector<4096x32xf32>
    %get3A_35 = arith.constant 0 : index
    %get3A_36 = arith.constant 0 : index
    %get3A_37 = vector.load %arg9[%get3A_35, %get3A_36] : memref<64x32xf32, #tpu.memory_space<vmem>>, vector<64x32xf32>
    %dot_general3A_38 = arith.constant dense<0.000000e+00> : vector<4096x64xf32>
    %dot_general3A_39 = tpu.matmul %max3A_34, %get3A_37, %dot_general3A_38 {dimension_numbers = #tpu.dot_dimension_numbers<[1], [1], [0], [0], [0, 0, 1, 0], [], []>, transpose_lhs_hint = false} : vector<4096x32xf32>, vector<64x32xf32>, vector<4096x64xf32> -> vector<4096x64xf32>
    %get3A_40 = arith.constant 0 : index
    %get3A_41 = arith.constant 0 : index
    %get3A_42 = vector.load %arg10[%get3A_40, %get3A_41] : memref<1x64xf32, #tpu.memory_space<vmem>>, vector<1x64xf32>
    %add3A_43 = vector.broadcast %get3A_42 : vector<1x64xf32> to vector<4096x64xf32>
    %add3A_44 = arith.addf %dot_general3A_39, %add3A_43 : vector<4096x64xf32>
    %max3A_45 = arith.constant 0.000000e+00 : f32
    %max3A_46 = vector.broadcast %max3A_45 : f32 to vector<4096x64xf32>
    %max3A_47 = arith.maximumf %add3A_44, %max3A_46 : vector<4096x64xf32>
    %reshape3A_48 = vector.shape_cast %max3A_47 : vector<4096x64xf32> to vector<256x16x64xf32>
    %reduce_max3A = arith.constant dense<0xFF800000> : vector<256x64xf32>
    %reduce_max3A_49 = vector.multi_reduction <maximumf>, %reshape3A_48, %reduce_max3A [1] : vector<256x16x64xf32> to vector<256x64xf32>
    %get3A_50 = arith.constant 0 : index
    %get3A_51 = arith.constant 0 : index
    %get3A_52 = arith.constant 0 : index
    %get3A_53 = arith.constant 0 : index
    %get3A_54 = vector.load %arg3[%get3A_50, %get3A_51, %get3A_52, %get3A_53] : memref<1x256x32x128xf32, #tpu.memory_space<vmem>>, vector<1x256x32x128xf32>
    %get3A_55 = vector.shape_cast %get3A_54 : vector<1x256x32x128xf32> to vector<256x32x128xf32>
    %slice3A_56 = vector.extract_strided_slice %get3A_55 {offsets = [0, 0, 32], sizes = [256, 32, 32], strides = [1, 1, 1]} : vector<256x32x128xf32> to vector<256x32x32xf32>
    %get3A_57 = arith.constant 0 : index
    %get3A_58 = arith.constant 0 : index
    %get3A_59 = vector.load %arg11[%get3A_57, %get3A_58] : memref<32x19xf32, #tpu.memory_space<vmem>>, vector<32x19xf32>
    %slice3A_60 = vector.extract_strided_slice %get3A_59 {offsets = [0, 0], sizes = [32, 3], strides = [1, 1]} : vector<32x19xf32> to vector<32x3xf32>
    %dot_general3A_61 = arith.constant dense<0.000000e+00> : vector<256x32xf32>
    %dot_general3A_62 = tpu.matmul %get3A_3, %slice3A_60, %dot_general3A_61 {dimension_numbers = #tpu.dot_dimension_numbers<[0], [1], [1], [0], [0, 1, 1, 0], [], []>, transpose_lhs_hint = false} : vector<3x256xf32>, vector<32x3xf32>, vector<256x32xf32> -> vector<256x32xf32>
    %get3A_63 = arith.constant 0 : index
    %get3A_64 = arith.constant 0 : index
    %get3A_65 = vector.load %arg12[%get3A_63, %get3A_64] : memref<1x32xf32, #tpu.memory_space<vmem>>, vector<1x32xf32>
    %sub3A_66 = vector.broadcast %get3A_65 : vector<1x32xf32> to vector<256x32xf32>
    %sub3A_67 = arith.subf %sub3A_66, %dot_general3A_62 : vector<256x32xf32>
    %broadcast_in_dim3A_68 = vector.shape_cast %sub3A_67 : vector<256x32xf32> to vector<256x1x32xf32>
    %add3A_69 = vector.broadcast %broadcast_in_dim3A_68 : vector<256x1x32xf32> to vector<256x32x32xf32>
    %add3A_70 = arith.addf %slice3A_56, %add3A_69 : vector<256x32x32xf32>
    %max3A_71 = arith.constant 0.000000e+00 : f32
    %max3A_72 = vector.broadcast %max3A_71 : f32 to vector<256x32x32xf32>
    %max3A_73 = arith.maximumf %add3A_70, %max3A_72 : vector<256x32x32xf32>
    %reshape3A_74 = vector.shape_cast %max3A_73 : vector<256x32x32xf32> to vector<8192x32xf32>
    %get3A_75 = arith.constant 0 : index
    %get3A_76 = arith.constant 0 : index
    %get3A_77 = vector.load %arg13[%get3A_75, %get3A_76] : memref<32x32xf32, #tpu.memory_space<vmem>>, vector<32x32xf32>
    %dot_general3A_78 = arith.constant dense<0.000000e+00> : vector<8192x32xf32>
    %dot_general3A_79 = tpu.matmul %reshape3A_74, %get3A_77, %dot_general3A_78 {dimension_numbers = #tpu.dot_dimension_numbers<[1], [1], [0], [0], [0, 0, 1, 0], [], []>, transpose_lhs_hint = false} : vector<8192x32xf32>, vector<32x32xf32>, vector<8192x32xf32> -> vector<8192x32xf32>
    %get3A_80 = arith.constant 0 : index
    %get3A_81 = arith.constant 0 : index
    %get3A_82 = vector.load %arg14[%get3A_80, %get3A_81] : memref<1x32xf32, #tpu.memory_space<vmem>>, vector<1x32xf32>
    %add3A_83 = vector.broadcast %get3A_82 : vector<1x32xf32> to vector<8192x32xf32>
    %add3A_84 = arith.addf %dot_general3A_79, %add3A_83 : vector<8192x32xf32>
    %max3A_85 = arith.constant 0.000000e+00 : f32
    %max3A_86 = vector.broadcast %max3A_85 : f32 to vector<8192x32xf32>
    %max3A_87 = arith.maximumf %add3A_84, %max3A_86 : vector<8192x32xf32>
    %get3A_88 = arith.constant 0 : index
    %get3A_89 = arith.constant 0 : index
    %get3A_90 = vector.load %arg15[%get3A_88, %get3A_89] : memref<64x32xf32, #tpu.memory_space<vmem>>, vector<64x32xf32>
    %dot_general3A_91 = arith.constant dense<0.000000e+00> : vector<8192x64xf32>
    %dot_general3A_92 = tpu.matmul %max3A_87, %get3A_90, %dot_general3A_91 {dimension_numbers = #tpu.dot_dimension_numbers<[1], [1], [0], [0], [0, 0, 1, 0], [], []>, transpose_lhs_hint = false} : vector<8192x32xf32>, vector<64x32xf32>, vector<8192x64xf32> -> vector<8192x64xf32>
    %get3A_93 = arith.constant 0 : index
    %get3A_94 = arith.constant 0 : index
    %get3A_95 = vector.load %arg16[%get3A_93, %get3A_94] : memref<1x64xf32, #tpu.memory_space<vmem>>, vector<1x64xf32>
    %add3A_96 = vector.broadcast %get3A_95 : vector<1x64xf32> to vector<8192x64xf32>
    %add3A_97 = arith.addf %dot_general3A_92, %add3A_96 : vector<8192x64xf32>
    %max3A_98 = arith.constant 0.000000e+00 : f32
    %max3A_99 = vector.broadcast %max3A_98 : f32 to vector<8192x64xf32>
    %max3A_100 = arith.maximumf %add3A_97, %max3A_99 : vector<8192x64xf32>
    %reshape3A_101 = vector.shape_cast %max3A_100 : vector<8192x64xf32> to vector<256x32x64xf32>
    %reduce_max3A_102 = arith.constant dense<0xFF800000> : vector<256x64xf32>
    %reduce_max3A_103 = vector.multi_reduction <maximumf>, %reshape3A_101, %reduce_max3A_102 [1] : vector<256x32x64xf32> to vector<256x64xf32>
    %concatenate3A = tpu.concatenate %reduce_max3A_49, %reduce_max3A_103 in 1 : vector<256x64xf32>, vector<256x64xf32> -> vector<256x128xf32>
    %get3A_104 = arith.constant 0 : index
    %get3A_105 = arith.constant 0 : index
    %get3A_106 = vector.load %arg17[%get3A_104, %get3A_105] : memref<64x128xf32, #tpu.memory_space<vmem>>, vector<64x128xf32>
    %dot_general3A_107 = arith.constant dense<0.000000e+00> : vector<256x64xf32>
    %dot_general3A_108 = tpu.matmul %concatenate3A, %get3A_106, %dot_general3A_107 {dimension_numbers = #tpu.dot_dimension_numbers<[1], [1], [0], [0], [0, 0, 1, 0], [], []>, transpose_lhs_hint = false} : vector<256x128xf32>, vector<64x128xf32>, vector<256x64xf32> -> vector<256x64xf32>
    %get3A_109 = arith.constant 0 : index
    %get3A_110 = arith.constant 0 : index
    %get3A_111 = vector.load %arg18[%get3A_109, %get3A_110] : memref<1x64xf32, #tpu.memory_space<vmem>>, vector<1x64xf32>
    %add3A_112 = vector.broadcast %get3A_111 : vector<1x64xf32> to vector<256x64xf32>
    %add3A_113 = arith.addf %dot_general3A_108, %add3A_112 : vector<256x64xf32>
    %max3A_114 = arith.constant 0.000000e+00 : f32
    %max3A_115 = vector.broadcast %max3A_114 : f32 to vector<256x64xf32>
    %max3A_116 = arith.maximumf %add3A_113, %max3A_115 : vector<256x64xf32>
    %swap3A = arith.constant 0 : index
    %swap3A_117 = arith.constant 0 : index
    %swap3A_118 = arith.constant 0 : index
    %swap3A_119 = vector.load %arg19[%swap3A, %swap3A_117, %swap3A_118] : memref<1x256x64xf32, #tpu.memory_space<vmem>>, vector<1x256x64xf32>
    %swap3A_120 = vector.shape_cast %swap3A_119 : vector<1x256x64xf32> to vector<256x64xf32>
    %swap3A_121 = vector.shape_cast %max3A_116 : vector<256x64xf32> to vector<1x256x64xf32>
    tpu.vector_store %arg19[%swap3A, %swap3A_117, %swap3A_118], %swap3A_121 {strides = array<i32>} : memref<1x256x64xf32, #tpu.memory_space<vmem>>, vector<1x256x64xf32>,
    return
  }
  func.func @transform_0(%arg0: i32, %arg1: i32) -> (i32, i32, i32, i32) {
    %c0_i32 = arith.constant 0 : i32
    %c0_i32_0 = arith.constant 0 : i32
    %c0_i32_1 = arith.constant 0 : i32
    return %arg0, %arg1, %c0_i32, %c0_i32_0 : i32, i32, i32, i32
  }
  func.func @transform_1(%arg0: i32, %arg1: i32) -> (i32, i32, i32, i32) {
    %c0_i32 = arith.constant 0 : i32
    %c0_i32_0 = arith.constant 0 : i32
    %c0_i32_1 = arith.constant 0 : i32
    return %arg0, %arg1, %c0_i32, %c0_i32_0 : i32, i32, i32, i32
  }
  func.func @transform_2(%arg0: i32, %arg1: i32) -> (i32, i32, i32) {
    %c0_i32 = arith.constant 0 : i32
    %c0_i32_0 = arith.constant 0 : i32
    return %arg0, %c0_i32, %arg1 : i32, i32, i32
  }
  func.func @transform_3(%arg0: i32, %arg1: i32) -> (i32, i32) {
    %c0_i32 = arith.constant 0 : i32
    %c0_i32_0 = arith.constant 0 : i32
    %c0_i32_1 = arith.constant 0 : i32
    return %c0_i32, %c0_i32_0 : i32, i32
  }
  func.func @transform_4(%arg0: i32, %arg1: i32) -> (i32, i32) {
    %c0_i32 = arith.constant 0 : i32
    %c0_i32_0 = arith.constant 0 : i32
    %c0_i32_1 = arith.constant 0 : i32
    return %c0_i32, %c0_i32_0 : i32, i32
  }
  func.func @transform_5(%arg0: i32, %arg1: i32) -> (i32, i32) {
    %c0_i32 = arith.constant 0 : i32
    %c0_i32_0 = arith.constant 0 : i32
    %c0_i32_1 = arith.constant 0 : i32
    return %c0_i32, %c0_i32_0 : i32, i32
  }
  func.func @transform_6(%arg0: i32, %arg1: i32) -> (i32, i32) {
    %c0_i32 = arith.constant 0 : i32
    %c0_i32_0 = arith.constant 0 : i32
    %c0_i32_1 = arith.constant 0 : i32
    return %c0_i32, %c0_i32_0 : i32, i32
  }
  func.func @transform_7(%arg0: i32, %arg1: i32) -> (i32, i32) {
    %c0_i32 = arith.constant 0 : i32
    %c0_i32_0 = arith.constant 0 : i32
    %c0_i32_1 = arith.constant 0 : i32
    return %c0_i32, %c0_i32_0 : i32, i32
  }
  func.func @transform_8(%arg0: i32, %arg1: i32) -> (i32, i32) {
    %c0_i32 = arith.constant 0 : i32
    %c0_i32_0 = arith.constant 0 : i32
    %c0_i32_1 = arith.constant 0 : i32
    return %c0_i32, %c0_i32_0 : i32, i32
  }
  func.func @transform_9(%arg0: i32, %arg1: i32) -> (i32, i32) {
    %c0_i32 = arith.constant 0 : i32
    %c0_i32_0 = arith.constant 0 : i32
    %c0_i32_1 = arith.constant 0 : i32
    return %c0_i32, %c0_i32_0 : i32, i32
  }
  func.func @transform_10(%arg0: i32, %arg1: i32) -> (i32, i32) {
    %c0_i32 = arith.constant 0 : i32
    %c0_i32_0 = arith.constant 0 : i32
    %c0_i32_1 = arith.constant 0 : i32
    return %c0_i32, %c0_i32_0 : i32, i32
  }
  func.func @transform_11(%arg0: i32, %arg1: i32) -> (i32, i32) {
    %c0_i32 = arith.constant 0 : i32
    %c0_i32_0 = arith.constant 0 : i32
    %c0_i32_1 = arith.constant 0 : i32
    return %c0_i32, %c0_i32_0 : i32, i32
  }
  func.func @transform_12(%arg0: i32, %arg1: i32) -> (i32, i32) {
    %c0_i32 = arith.constant 0 : i32
    %c0_i32_0 = arith.constant 0 : i32
    %c0_i32_1 = arith.constant 0 : i32
    return %c0_i32, %c0_i32_0 : i32, i32
  }
  func.func @transform_13(%arg0: i32, %arg1: i32) -> (i32, i32) {
    %c0_i32 = arith.constant 0 : i32
    %c0_i32_0 = arith.constant 0 : i32
    %c0_i32_1 = arith.constant 0 : i32
    return %c0_i32, %c0_i32_0 : i32, i32
  }
  func.func @transform_14(%arg0: i32, %arg1: i32) -> (i32, i32) {
    %c0_i32 = arith.constant 0 : i32
    %c0_i32_0 = arith.constant 0 : i32
    %c0_i32_1 = arith.constant 0 : i32
    return %c0_i32, %c0_i32_0 : i32, i32
  }
  func.func @transform_15(%arg0: i32, %arg1: i32) -> (i32, i32) {
    %c0_i32 = arith.constant 0 : i32
    %c0_i32_0 = arith.constant 0 : i32
    %c0_i32_1 = arith.constant 0 : i32
    return %c0_i32, %c0_i32_0 : i32, i32
  }
  func.func @transform_16(%arg0: i32, %arg1: i32) -> (i32, i32) {
    %c0_i32 = arith.constant 0 : i32
    %c0_i32_0 = arith.constant 0 : i32
    %c0_i32_1 = arith.constant 0 : i32
    return %c0_i32, %c0_i32_0 : i32, i32
  }
  func.func @transform_17(%arg0: i32, %arg1: i32) -> (i32, i32, i32) {
    %c0_i32 = arith.constant 0 : i32
    %c0_i32_0 = arith.constant 0 : i32
    return %arg0, %arg1, %c0_i32 : i32, i32, i32
  }
}

</mosaic_0001>

<sc_bundles>
// kernel: kernel.6.cloned.1.call-start
scs
__scs_entry_jumppad:
0x0: {  	(pc) =	sbr.rel $0x88, $3  }
0x1: {  	(tag) =	ssettag $0x0;
	lr =	simm.s32 $0x1  }
0x2: {  	[smem:$0x3F91] =	sst lr;
	_ =	strace $0xD0000000  }
0x3: {  	_ = 	snop  }
0x4: {  	_ = 	snop  }
0x5: {  	_ = 	snop  }
0x6: {  	_ = 	snop  }
0x7: {  	_ = 	snop  }
__scs_overlays_trampoline_lowered:
0x8: {  	[smem:$0x3FA0] =	sst s0  }
0x9: {  	[smem:$0x3FA1] =	sst s1  }
0xa: {  	[smem:$0x3FA2] =	sst s2  }
0xb: {  	[smem:$0x3FA3] =	sst s3  }
0xc: {  	[smem:$0x3FA4] =	sst s4  }
0xd: {  	[smem:$0x3FA5] =	sst s5  }
0xe: {  	[smem:$0x3FA6] =	sst s6  }
0xf: {  	[smem:$0x3FA7] =	sst s7  }
0x10: {  	[smem:$0x3FA8] =	sst s8  }
0x11: {  	[smem:$0x3FA9] =	sst s9;
	s0 =	simm.s32 @!p0 $0x0  }
0x12: {  	s1 =	sld [smem:$0x3F8F];
	s0 =	simm.s32 @p0 $0x1  }
0x13: {  	[smem:$0x3FAA] =	sst s0;
	s0 =	simm.s32 @!p1 $0x0  }
0x14: {  	s2 =	sld [smem:$0x3F8E];
	s0 =	simm.s32 @p1 $0x1  }
0x15: {  	[smem:$0x3FAB] =	sst s0;
	s0 =	simm.s32 @!p2 $0x0  }
0x16: {  	s3 =	sld [smem:$0x3FDB];
	s0 =	simm.s32 @p2 $0x1  }
0x17: {  	s4 =	simm.s32 $0x1BF5;
	[smem:$0x3FAD] =	sst s0  }
0x18: {  	s0 =	sld [smem:$0x3F90];
	_ =	swait.ge [sflag:s4], $0x0  }
0x19: {  	s7 =	sld [smem:$0x3F91]  }
0x1a: {  	s8 =	sadd.s32 $0xFFFFE003, lr  }
0x1b: {  	s9 =	sadd.s32 $0xFFFFFEF7, lr;
	s5 =	simm.s32 $0xFFFFFFFF;
	p2 =	slt.u32 s8, $0xFFFFF086  }
0x1c: {  	p1 =	slt.u32 s9, $0xF7A;
	s5 =	simm.s32 @!p2 $0x0  }
0x1d: {  	s5 =	simm.s32 @p1 $0x1;
	p0 =	seq.s32 s7, s2  }
0x1e: {  	s7 =	smul.u32 @!p0 $0xF7A, s2;
	p2 =	seq.s32 @!p0 s5, $0x0  }
0x1f: {  	s9 =	smul.u32 $0xF7A, s1;
	s8 =	simm.s32 @!p0 $0x1BF5;
	p2 =	por !p2, p0  }
0x20: {  	[sflag:s8] =	ssyncset.s32 @!p0 $0xFFFFF086;
	s6 =	sadd.s32 @!p0 s3, s7;
	s7 =	simm.s32 @!p0 $0x108  }
0x21: {  	s3 =	sadd.s32 s3, s9;
	s6 =	sadd.s32 @!p0 $0x88, s6;
	s7 =	simm.s32 @p2 $0x1082  }
0x22: {  	[simem:s7], [sflag:s8] =	dma.local @!p0 [hbm:s6], $0xF7A  }
0x23: {  	s9 =	sor.u32 $0xD0000000, s2;
	s6 =	simm.s32 $0x108;
	_ =	swait.ge @!p0 [sflag:s8], $0x0  }
0x24: {  	s3 =	sadd.s32 $0x88, s3;
	s6 =	simm.s32 @!p1 $0x1082;
	[sflag:s4] =	ssyncset.s32 $0xFFFFF086  }
0x25: {  	[simem:s6], [sflag:s4] =	dma.local [hbm:s3], $0xF7A  }
0x26: {  	[smem:$0x3F91] =	sst s1;
	(tag) =	ssettag s2;
	_ =	strace s9  }
0x27: {  	s1 =	sld [smem:$0x3FA1]  }
0x28: {  	s2 =	sld [smem:$0x3FA2]  }
0x29: {  	s4 =	sld [smem:$0x3FA4]  }
0x2a: {  	p0 =	seq.s32 s5, $0x0;
	s5 =	sld [smem:$0x3FA5]  }
0x2b: {  	s6 =	sld [smem:$0x3FA6]  }
0x2c: {  	s7 =	sld [smem:$0x3FA7]  }
0x2d: {  	s3 =	simm.s32 $0x108;
	s8 =	sld [smem:$0x3FA8]  }
0x2e: {  	s3 =	simm.s32 @!p0 $0x1082;
	s9 =	sld [smem:$0x3FA9]  }
0x2f: {  	lr =	sadd.s32 s0, s3;
	s0 =	sld [smem:$0x3FA0]  }
0x30: {  	s3 =	sld [smem:$0x3FA3]  }
0x31: {  	[smem:$0x3FAC] =	sst s10  }
0x32: {  	s10 =	sld [smem:$0x3FAA];
	_ =	sdelay $0x3  }
0x33: {  	p0 =	seq.s32 s10, $0x1;
	s10 =	sld [smem:$0x3FAC];
	_ =	sdelay $0x3  }
0x34: {  	[smem:$0x3FAC] =	sst s10  }
0x35: {  	s10 =	sld [smem:$0x3FAB];
	_ =	sdelay $0x3  }
0x36: {  	p1 =	seq.s32 s10, $0x1;
	s10 =	sld [smem:$0x3FAC];
	_ =	sdelay $0x3  }
0x37: {  	[smem:$0x3FAC] =	sst s10  }
0x38: {  	s10 =	sld [smem:$0x3FAD]  }
0x39: {  	_ = 	snop;
	(pc) =	sbr.ind lr, $3  }
0x3a: {  	_ = 	snop  }
0x3b: {  	_ = 	snop  }
0x3c: {  	p2 =	seq.s32 s10, $0x1;
	s10 =	sld [smem:$0x3FAC]  }
0x3d: {  	_ =	shalt  }
0x3e: {  	_ =	shalt  }
0x3f: {  	_ =	shalt  }
0x40: {  	_ =	shalt  }
0x41: {  	_ =	shalt  }
0x42: {  	_ =	shalt  }
0x43: {  	_ =	shalt  }
0x44: {  	_ =	shalt  }
0x45: {  	_ =	shalt  }
0x46: {  	_ =	shalt  }
0x47: {  	_ =	shalt  }
0x48: {  	_ =	shalt  }
0x49: {  	_ =	shalt  }
0x4a: {  	_ =	shalt  }
0x4b: {  	_ =	shalt  }
0x4c: {  	_ =	shalt  }
0x4d: {  	_ =	shalt  }
0x4e: {  	_ =	shalt  }
0x4f: {  	_ =	shalt  }
0x50: {  	_ =	shalt  }
0x51: {  	_ =	shalt  }
0x52: {  	_ =	shalt  }
0x53: {  	_ =	shalt  }
0x54: {  	_ =	shalt  }
0x55: {  	_ =	shalt  }
0x56: {  	_ =	shalt  }
0x57: {  	_ =	shalt  }
0x58: {  	_ =	shalt  }
0x59: {  	_ =	shalt  }
0x5a: {  	_ =	shalt  }
0x5b: {  	_ =	shalt  }
0x5c: {  	_ =	shalt  }
0x5d: {  	_ =	shalt  }
0x5e: {  	_ =	shalt  }
0x5f: {  	_ =	shalt  }
0x60: {  	_ =	shalt  }
0x61: {  	_ =	shalt  }
0x62: {  	_ =	shalt  }
0x63: {  	_ =	shalt  }
0x64: {  	_ =	shalt  }
0x65: {  	_ =	shalt  }
0x66: {  	_ =	shalt  }
0x67: {  	_ =	shalt  }
0x68: {  	_ =	shalt  }
0x69: {  	_ =	shalt  }
0x6a: {  	_ =	shalt  }
0x6b: {  	_ =	shalt  }
0x6c: {  	_ =	shalt  }
0x6d: {  	_ =	shalt  }
0x6e: {  	_ =	shalt  }
0x6f: {  	_ =	shalt  }
0x70: {  	_ =	shalt  }
0x71: {  	_ =	shalt  }
0x72: {  	_ =	shalt  }
0x73: {  	_ =	shalt  }
0x74: {  	_ =	shalt  }
0x75: {  	_ =	shalt  }
0x76: {  	_ =	shalt  }
0x77: {  	_ =	shalt  }
0x78: {  	_ =	shalt  }
0x79: {  	_ =	shalt  }
0x7a: {  	_ =	shalt  }
0x7b: {  	_ =	shalt  }
0x7c: {  	_ =	shalt  }
0x7d: {  	_ =	shalt  }
0x7e: {  	_ =	shalt  }
0x7f: {  	_ =	shalt  }
0x80: {  	_ =	shalt  }
0x81: {  	_ =	shalt  }
0x82: {  	_ =	shalt  }
0x83: {  	_ =	shalt  }
0x84: {  	_ =	shalt  }
0x85: {  	_ =	shalt  }
0x86: {  	_ =	shalt  }
0x87: {  	_ =	shalt  }
.Lfunc_end0:
.L_simem_size_0:
called_computation_lowered:
.L_overlay_start_0:
0x88: {  	s2 =	sld [smem:$0x3FD9]  }
0x89: {  	s3 =	sld [smem:$0x3FFE];
	_ =	sdelay $0x1  }
0x8a: {  	s1 =	srdreg.scid  }
0x8b: {  	s0 =	sand.u32 $0x1, s1  }
0x8c: {  	s14 =	sshll.u32 s0, $0xA;
	s2 =	sadd.s32 s3, s2  }
0x8d: {  	s2 =	sadd.s32 s2, s14  }
0x8e: {  	[smem:$0x3FB8] =	sst s2  }
0x8f: {  	_ = 	snop  }
0x90: {  	s2 =	sld [smem:$0x3FD0];
	_ =	sdelay $0x2  }
0x91: {  	s15 =	simm.s32 $0xA;
	s4 =	simm.s32 $0x10  }
0x92: {  	[smem:s4], [sflag:s15] =	dma.local [hbm:s2], $0x1  }
0x93: {  	_ =	swait.eq [sflag:s15], $0x1  }
0x94: {  	[sflag:s15] =	ssyncset.done $0x0  }
0x95: {  	[sflag:s15] =	ssyncadd.s32 $0xFFFFFFFF  }
0x96: {  	s16 =	sld [smem:$0x11];
	(tm) =	ssettm $0x1  }
0x97: {  	s17 =	sld [smem:$0x3FFB];
	_ =	sdelay $0x3  }
0x98: {  	_ =	strace s17  }
0x99: {  	s3 =	sld [smem:$0x3FFC];
	_ =	sdelay $0x3  }
0x9a: {  	_ =	strace s3  }
0x9b: {  	s3 =	sld [smem:$0x3FFD];
	_ =	sdelay $0x3  }
0x9c: {  	_ =	strace s3  }
0x9d: {  	_ =	strace $0x8FFFFFFF  }
0x9e: {  	s18 =	sld [smem:$0x3FDB];
	_ =	sdelay $0x1  }
0x9f: {  	s19 =	simm.s32 $_scs_section_size  }
0xa0: {  	s5 =	simm.s32 $_size__tile_overlayer_lowered;
	s6 =	simm.s32 $_tile_overlayer_lowered  }
0xa1: {  	s22 =	simm.s32 $0x1BFF;
	s21 =	sshll.u32 s6, $0x1;
	s3 =	sadd.s32 s19, s18  }
0xa2: {  	s7 =	simm.s32 $0x0;
	s20 =	sshll.u32 s5, $0x1;
	s5 =	sadd.s32 s21, s3  }
0xa3: {  	[timem:s7], [sflag:s22] =	dma.local [hbm:s5], s20  }
0xa4: {  	_ =	swait.ge [sflag:s22], s20  }
0xa5: {  	s4 =	ssub.s32 $0x0, s20;
	[sflag:s22] =	ssyncset.done $0x0  }
0xa6: {  	[sflag:s22] =	ssyncadd.s32 s4;
	_ =	sdelay $0x1  }
0xa7: {  	s23 =	simm.s32 $0x1B8B  }
0xa8: {  	_ =	swait.ge [sflag:s23], $0x1  }
0xa9: {  	[sflag:s23] =	ssyncset.done $0x0  }
0xaa: {  	s25 =	simm.s32 $0x1B8E;
	s24 =	sld [smem:$0x3FFE];
	[sflag:s23] =	ssyncadd.s32 $0xFFFFFFFF  }
0xab: {  	s26 =	simm.s32 $execute0_lowered;
	[smem:$0x3FD2] =	sst s25  }
0xac: {  	s5 =	sshll.u32 s26, $0x1;
	_ =	strace $0x80000046;
	[dreg:$0x1] =	wrdreg $0xFFFFFFFF  }
0xad: {  	s28 =	simm.s32 $_size_execute0_lowered;
	s3 =	sadd.s32 s3, s5;
	[dreg:$0x0] =	wrdreg $0x0  }
0xae: {  	s5 =	sshll.u32 s28, $0x1;
	[dreg:$0x2] =	wrdreg s3  }
0xaf: {  	[dreg:$0x3] =	wrdreg s5  }
0xb0: {  	[dreg:$0x4] =	wrdreg $0xC0  }
0xb1: {  	_ =	task [dreg:s7], $0x5FFFF  }
0xb2: {  	[dreg:$0x1] =	wrdreg $0xFFFFFFFF  }
0xb3: {  	[dreg:$0x0] =	wrdreg $0x60  }
0xb4: {  	[dreg:$0x2] =	wrdreg s24  }
0xb5: {  	[dreg:$0x3] =	wrdreg s16  }
0xb6: {  	[dreg:$0x4] =	wrdreg $0x9  }
0xb7: {  	_ =	task.clear_ibuf [dreg:s7], $0x5FFFF;
	_ =	strace $0x90000046  }
0xb8: {  	s29 =	simm.s32 $0x9;
	_ =	strace $0x80000048  }
0xb9: {  	_ =	swait.ge [sflag:s29], $0x1  }
0xba: {  	[sflag:s29] =	ssyncadd.s32 $0xFFFFFFFF  }
0xbb: {  	_ =	strace $0x90000048  }
0xbc: {  	_ =	sfence  }
0xbd: {  	s30 =	sld [smem:$0x0];
	_ =	sdelay $0x2  }
0xbe: {  	s31 =	sshll.u32 s1, $0xD;
	s1 =	sshrl.u32 s1, $0x2  }
0xbf: {  	s3 =	sand.u32 $0x4000, s31;
	s1 =	sadd.s32 s1, s30  }
0xc0: {  	s0 =	sor.u32 s3, s0;
	s1 =	sshll.u32 s1, $0x11  }
0xc1: {  	s0 =	sor.u32 s1, s0  }
0xc2: {  	s0 =	sadd.s32 $0x8F2B, s0  }
0xc3: {  	[sflag:s0] =	ssyncadd.remote.s32 $0x1  }
0xc4: {  	_ =	sfence.sel $0xFFFF  }
0xc5: {  	[dreg:$0x0] =	wrdreg $0xFFFFFFFF;
	(pc) =	sbr.abs _section_cstart, $3  }
0xc6: {  	[dreg:$0x1] =	wrdreg $0xFFFFFFFF  }
0xc7: {  	_ =	task.clear_ibuf [dreg:s7], $0x2FFFF;
	_ =	strace $0x9FFFFFFF  }
0xc8: {  	(tm) =	ssettm $0x7FFFFFFF  }
0xc9: {  	_ =	shalt  }
tec
execute0_lowered:
.L_overlay_start_1:
0x0: {  	(tag) =	ssettag $0x1  }
0x1: {  	s0 =	rddreg [dreg:$0x0]  }
0x2: {  	s5 =	rddreg [dreg:$0x1]  }
0x3: {  	s2 =	simm.s32 $0x0;
	s3 =	srdreg.scid;
	s1 =	stileid.u32  }
0x4: {  	s16 =	simm.s32 $0x4000;
	s17 =	simm.s32 $0x6000;
	s18 =	simm.s32 $0x6080  }
0x5: {  	s19 =	simm.s32 $0x6100;
	s20 =	simm.s32 $0x80;
	s21 =	simm.s32 $0x7A00  }
0x6: {  	s22 =	simm.s32 $0x1;
	s23 =	simm.s32 $0x0;
	[smem:$0x7FF] =	sst s2  }
0x7: {  	s11 =	sand.u32 $0x1, s3;
	s28 =	sshll.u32 s1, $0xB;
	s4 =	sshll.u32 s1, $0x5  }
0x8: {  	s8 =	sshll.u32 s1, $0x10;
	s9 =	sshll.u32 s1, $0x11;
	s6 =	sshll.u32 s11, $0x4  }
0x9: {  	s3 =	sand.u32 $0x6000, s28;
	_ =	strace $0x80000047;
	s12 =	ssub.s32 $0x2, s11  }
0xa: {  	s13 =	sadd.s32 s8, s0;
	s14 =	sshll.u32 s11, $0xF;
	s15 =	sshll.u32 s11, $0x10  }
0xb: {  	s4 =	sor.u32 s6, s4;
	s29 =	sshrl.u32 s3, $0x3;
	s30 =	sshrl.u32 s12, $0x1  }
0xc: {  	s31 =	sadd.s32 s14, s13;
	s14 =	simm.s32 $0x2;
	s10 =	sadd.s32 s4, s0  }
0xd: {  	s7 =	sadd.s32 s29, s0;
	s4 =	sadd.s32 $0x3200, s0;
	s0 =	sadd.s32 s9, s0  }
0xe: {  	s12 =	ssub.s32 s12, s30;
	s6 =	sadd.s32 $0x83400, s7;
	s8 =	sadd.s32 $0x83200, s10  }
0xf: {  	s5 =	sadd.s32 s5, s29;
	s9 =	sadd.s32 $0x105600, s10;
	s10 =	sadd.s32 $0x105400, s10  }
0x10: {  	v0 =	vlaneseq.u32;
	s11 =	smax.u32 s12, $0x1;
	s0 =	sadd.s32 s15, s0;
	s12 =	sadd.s32 $0x105800, s31  }
0x11: {  	v1 =	vimm.s32 $0x0;
	v2 =	vor.u32 $0x10, v0;
	s7 =	sadd.s32 $0x84400, s7;
	s15 =	simm.s32 $0x2000;
	s13 =	sadd.s32 $0x205800, s0  }
.LBB2_1:
0x12: {  	[tilespmem:s2], [sflag:$0x2] =	stream.linear.gather [hbm4b:s5+s2], $0x2000, $0x38;
	[tilespmem:$0xBA00] =	vst v63  }
0x13: {  	_ =	swait.ge [sflag:s14], $0x2000  }
0x14: {  	[sflag:s14] =	ssyncset.done $0x0  }
0x15: {  	[sflag:s14] =	ssyncadd.s32 $0xFFFFE000  }
0x16: {  	[tilespmem:s15], [sflag:$0x2] =	stream.linear.gather [hbm4b:s6+s2], $0x2000, $0x38;
	[tilespmem:$0xBA00] =	vst v63  }
0x17: {  	_ =	swait.ge [sflag:s14], $0x2000  }
0x18: {  	[sflag:s14] =	ssyncset.done $0x0  }
0x19: {  	[sflag:s14] =	ssyncadd.s32 $0xFFFFE000  }
0x1a: {  	[tilespmem:s16], [sflag:$0x2] =	stream.linear.gather [hbm4b:s7+s2], $0x2000, $0x38;
	[tilespmem:$0xBA00] =	vst v63  }
0x1b: {  	_ =	swait.ge [sflag:s14], $0x2000  }
0x1c: {  	[sflag:s14] =	ssyncset.done $0x0  }
0x1d: {  	[sflag:s14] =	ssyncadd.s32 $0xFFFFE000  }
0x1e: {  	[tilespmem:s17], [sflag:$0x2] =	stream.linear.gather [hbm4b:s8+s2], $0x80, $0x38;
	[tilespmem:$0xBA00] =	vst v63  }
0x1f: {  	_ =	swait.ge [sflag:s14], $0x80  }
0x20: {  	[sflag:s14] =	ssyncset.done $0x0  }
0x21: {  	[sflag:s14] =	ssyncadd.s32 $0xFFFFFF80  }
0x22: {  	[tilespmem:s18], [sflag:$0x2] =	stream.linear.gather [hbm4b:s9+s2], $0x80, $0x38;
	[tilespmem:$0xBA00] =	vst v63  }
0x23: {  	_ =	swait.ge [sflag:s14], $0x80  }
0x24: {  	[sflag:s14] =	ssyncset.done $0x0  }
0x25: {  	[sflag:s14] =	ssyncadd.s32 $0xFFFFFF80  }
0x26: {  	[tilespmem:s19], [sflag:$0x2] =	stream.linear.gather [hbm4b:s10+s2], $0x80, $0x38;
	[tilespmem:$0xBA00] =	vst v63  }
0x27: {  	_ =	swait.ge [sflag:s14], $0x80  }
0x28: {  	[sflag:s14] =	ssyncset.done $0x0  }
0x29: {  	s24 =	simm.s32 $0x0;
	[sflag:s14] =	ssyncadd.s32 $0xFFFFFF80  }
.LBB2_2:
0x2a: {  	s25 =	sand.u32 $0x70, s24  }
0x2b: {  	v4 =	vld [tilespmem:s25+$0x6000]  }
0x2c: {  	v5 =	vld [tilespmem:s25+$0x6080]  }
0x2d: {  	v6 =	vld [tilespmem:s25+$0x6100];
	_ =	sdelay $0x1  }
0x2e: {  	s0 =	sand.u32 $0xF, s24  }
0x2f: {  	v3 =	vmov s0  }
0x30: {  	s26 =	simm.s32 $0x2000;
	s29 =	simm.s32 $0x4000;
	s30 =	simm.s32 $0x0;
	v4 =	vperm.xlane v4, v3  }
0x31: {  	s31 =	smov.u32 s3;
	s28 =	simm.s32 $0x0;
	s0 =	simm.s32 $0x0;
	v5 =	vperm.xlane v5, v3;
	v6 =	vperm.xlane v6, v3  }
.LBB2_3:
0x32: {  	v7 =	vld [tilespmem:s30+$0x0]  }
0x33: {  	v8 =	vld [tilespmem:s26+$0x0];
	_ =	sdelay $0x1  }
0x34: {  	v9 =	vld [tilespmem:s29+$0x0];
	_ =	sdelay $0x2  }
0x35: {  	v7 =	vsub.f32 v7, v4;
	v8 =	vsub.f32 v8, v5;
	_ =	sdelay $0x1  }
0x36: {  	v9 =	vsub.f32 v9, v6;
	v7 =	vmul.f32 v7, v7;
	v8 =	vmul.f32 v8, v8;
	_ =	sdelay $0x1  }
0x37: {  	v7 =	vadd.f32 v8, v7;
	v8 =	vmul.f32 v9, v9;
	_ =	sdelay $0x1  }
0x38: {  	v7 =	vadd.f32 v8, v7;
	_ =	sdelay $0x1  }
0x39: {  	vm0 =	vlt.f32 v7, $3.999999910e-02  }
0x3a: {  	v7 =	vmpcnt.ones.xlane vm0;
	_ =	sdelay $0x1  }
0x3b: {  	(v2sf) =	vpush v7, $0x0;
	_ =	sdelay $0xe  }
0x3c: {  	v7 =	vor.u32 s31, v0;
	s1 =	spop (v2sf)  }
0x3d: {  	p0 =	sgt.u32 s0, $0x1FE;
	[tilespmem:s28+$0x6180] =	vst.msk vm0, v7;
	s28 =	sadd.s32 s28, s1  }
0x3e: {  	p1 =	slt.s32 @!p0 s28, $0x10  }
0x3f: {  	p0 =	por p0, !p1  }
.Ltmp0:
0x40: {  	_ = 	snop;
	(pc) =	sbr.rel @!p0 .LBB2_3-.Ltmp0, $3  }
0x41: {  	_ =	sdelay $0x1  }
0x42: {  	s0 =	sadd.s32 $0x1, s0;
	s30 =	sadd.s32 $0x10, s30  }
0x43: {  	s26 =	sadd.s32 $0x10, s26;
	s29 =	sadd.s32 $0x10, s29;
	s31 =	sadd.s32 $0x10, s31  }
0x44: {  	v4 =	vld [tilespmem:$0x6180];
	_ =	sdelay $0x4  }
0x45: {  	v6 =	vmov s28;
	v5 =	vperm.xlane v4, v1  }
0x46: {  	s0 =	sshll.u32 s24, $0x4;
	vm0 =	vgt.s32 v6, v0  }
0x47: {  	s0 =	sand.u32 $0x7F0, s0;
	v4 =	vsel vm0, v4, v5  }
0x48: {  	[tilespmem:s0+$0x6200] =	vst v4  }
0x49: {  	v4 =	vld [tilespmem:s25+$0x6000]  }
0x4a: {  	v5 =	vld [tilespmem:s25+$0x6080]  }
0x4b: {  	v6 =	vld [tilespmem:s25+$0x6100];
	_ =	sdelay $0x3  }
0x4c: {  	s30 =	simm.s32 $0x0;
	s28 =	simm.s32 $0x4000;
	s29 =	simm.s32 $0x0;
	v4 =	vperm.xlane v4, v3  }
0x4d: {  	s26 =	simm.s32 $0x0;
	s0 =	smov.u32 s3;
	s25 =	simm.s32 $0x2000;
	v5 =	vperm.xlane v5, v3;
	v3 =	vperm.xlane v6, v3  }
.LBB2_5:
0x4e: {  	v6 =	vld [tilespmem:s29+$0x0]  }
0x4f: {  	v7 =	vld [tilespmem:s25+$0x0];
	_ =	sdelay $0x1  }
0x50: {  	v8 =	vld [tilespmem:s28+$0x0];
	_ =	sdelay $0x2  }
0x51: {  	v6 =	vsub.f32 v6, v4;
	v7 =	vsub.f32 v7, v5;
	_ =	sdelay $0x1  }
0x52: {  	v8 =	vsub.f32 v8, v3;
	v6 =	vmul.f32 v6, v6;
	v7 =	vmul.f32 v7, v7;
	_ =	sdelay $0x1  }
0x53: {  	v6 =	vadd.f32 v7, v6;
	v7 =	vmul.f32 v8, v8;
	_ =	sdelay $0x1  }
0x54: {  	v6 =	vadd.f32 v7, v6;
	_ =	sdelay $0x1  }
0x55: {  	vm0 =	vlt.f32 v6, $1.599999960e-01  }
0x56: {  	v6 =	vmpcnt.ones.xlane vm0;
	_ =	sdelay $0x1  }
0x57: {  	(v2sf) =	vpush v6, $0x0;
	_ =	sdelay $0xe  }
0x58: {  	v6 =	vor.u32 s0, v0;
	s1 =	spop (v2sf)  }
0x59: {  	p0 =	sgt.u32 s30, $0x1FE;
	[tilespmem:s26+$0x6180] =	vst.msk vm0, v6;
	s26 =	sadd.s32 s26, s1  }
0x5a: {  	p1 =	slt.s32 @!p0 s26, $0x20  }
0x5b: {  	p0 =	por p0, !p1  }
.Ltmp1:
0x5c: {  	_ = 	snop;
	(pc) =	sbr.rel @!p0 .LBB2_5-.Ltmp1, $3  }
0x5d: {  	_ =	sdelay $0x1  }
0x5e: {  	s30 =	sadd.s32 $0x1, s30;
	s29 =	sadd.s32 $0x10, s29  }
0x5f: {  	s25 =	sadd.s32 $0x10, s25;
	s28 =	sadd.s32 $0x10, s28;
	s0 =	sadd.s32 $0x10, s0  }
0x60: {  	v3 =	vld [tilespmem:$0x6180];
	_ =	sdelay $0x4  }
0x61: {  	v5 =	vmov s26;
	v4 =	vperm.xlane v3, v1  }
0x62: {  	s0 =	sshll.u32 s24, $0x5;
	vm0 =	vgt.s32 v5, v0  }
0x63: {  	s0 =	sand.u32 $0xFE0, s0;
	v3 =	vsel vm0, v3, v4  }
0x64: {  	[tilespmem:s0+$0x6A00] =	vst v3  }
0x65: {  	s24 =	sadd.s32 $0x1, s24;
	v3 =	vld [tilespmem:$0x6190]  }
0x66: {  	p0 =	sne.s32 s24, $0x80  }
.Ltmp2:
0x67: {  	_ = 	snop;
	(pc) =	sbr.rel @p0 .LBB2_2-.Ltmp2, $4  }
0x68: {  	_ = 	snop  }
0x69: {  	vm15 =	vgt.s32 v5, v2  }
0x6a: {  	v3 =	vsel vm15, v3, v4  }
0x6b: {  	s25 =	simm.s32 $0x0;
	[tilespmem:s0+$0x6A10] =	vst v3  }
0x6c: {  	s0 =	simm.s32 $0x6200  }
0x6d: {  	[tilespmem:s21], [sflag:$0x1] =	stream.indirect.gather [hbm4b:s4+s20], $0x80, s0, s20, $0xb8;
	[tilespmem:$0xBA00] =	vst v63  }
0x6e: {  	_ =	swait.ge [sflag:s22], $0x4000  }
0x6f: {  	[sflag:s22] =	ssyncset.done $0x0  }
0x70: {  	[sflag:s22] =	ssyncadd.s32 $0xFFFFC000  }
0x71: {  	[hbm4b:s12+s25] =	stream.linear.scatter [tilespmem:s21], [sflag:$0x2], $0x4000, $0x38;
	[tilespmem:$0xBA00] =	vst v63  }
0x72: {  	s26 =	simm.s32 $0x80;
	_ =	swait.ge [sflag:s14], $0x4000  }
0x73: {  	s24 =	sadd.s32 $0x800, s12;
	s0 =	simm.s32 $0x400;
	[sflag:s14] =	ssyncset.done $0x0  }
.LBB2_8:
0x74: {  	s1 =	sadd.s32 $0x6200, s26  }
0x75: {  	[sflag:s14] =	ssyncadd.s32 $0xFFFFC000;
	s26 =	smov.u32 s0;
	s28 =	sadd.s32 $0x200, s0  }
0x76: {  	[tilespmem:s21], [sflag:$0x1] =	stream.indirect.gather [hbm4b:s4+s20], $0x80, s1, s20, $0xb8;
	[tilespmem:$0xBA00] =	vst v63  }
0x77: {  	p0 =	sne.s32 s0, $0x1E00;
	_ =	swait.ge [sflag:s22], $0x4000  }
.Ltmp3:
0x78: {  	[sflag:s22] =	ssyncset.done $0x0;
	(pc) =	sbr.rel @p0 .LBB2_8-.Ltmp3, $4  }
0x79: {  	[sflag:s22] =	ssyncadd.s32 $0xFFFFC000  }
0x7a: {  	[hbm4b:s24+s25] =	stream.linear.scatter [tilespmem:s21], [sflag:$0x2], $0x4000, $0x38;
	[tilespmem:$0xBA00] =	vst v63  }
0x7b: {  	s26 =	sshra.s32 s26, $0x2;
	_ =	swait.ge [sflag:s14], $0x4000  }
0x7c: {  	s0 =	smov.u32 s28;
	s24 =	sadd.s32 $0x800, s24;
	[sflag:s14] =	ssyncset.done $0x0  }
0x7d: {  	s0 =	sadd.s32 $0x6200, s26;
	[sflag:s14] =	ssyncadd.s32 $0xFFFFC000  }
0x7e: {  	[tilespmem:s21], [sflag:$0x1] =	stream.indirect.gather [hbm4b:s4+s20], $0x80, s0, s20, $0xb8;
	[tilespmem:$0xBA00] =	vst v63  }
0x7f: {  	_ =	swait.ge [sflag:s22], $0x4000  }
0x80: {  	[sflag:s22] =	ssyncset.done $0x0  }
0x81: {  	[sflag:s22] =	ssyncadd.s32 $0xFFFFC000  }
0x82: {  	[hbm4b:s24+s25] =	stream.linear.scatter [tilespmem:s21], [sflag:$0x2], $0x4000, $0x38;
	[tilespmem:$0xBA00] =	vst v63  }
0x83: {  	_ =	swait.ge [sflag:s14], $0x4000  }
0x84: {  	[sflag:s14] =	ssyncset.done $0x0  }
0x85: {  	s31 =	simm.s32 $0x6A00;
	[sflag:s14] =	ssyncadd.s32 $0xFFFFC000  }
0x86: {  	[tilespmem:s21], [sflag:$0x1] =	stream.indirect.gather [hbm4b:s4+s20], $0x80, s31, s20, $0xb8;
	[tilespmem:$0xBA00] =	vst v63  }
0x87: {  	_ =	swait.ge [sflag:s22], $0x4000  }
0x88: {  	[sflag:s22] =	ssyncset.done $0x0  }
0x89: {  	[sflag:s22] =	ssyncadd.s32 $0xFFFFC000  }
0x8a: {  	[hbm4b:s13+s2] =	stream.linear.scatter [tilespmem:s21], [sflag:$0x2], $0x4000, $0x38;
	[tilespmem:$0xBA00] =	vst v63  }
0x8b: {  	s0 =	simm.s32 $0x400;
	_ =	swait.ge [sflag:s14], $0x4000  }
0x8c: {  	s25 =	simm.s32 $0x80;
	s24 =	sadd.s32 $0x800, s13;
	[sflag:s14] =	ssyncset.done $0x0  }
.LBB2_10:
0x8d: {  	s1 =	sadd.s32 $0x6A00, s25  }
0x8e: {  	[sflag:s14] =	ssyncadd.s32 $0xFFFFC000;
	s25 =	smov.u32 s0;
	s26 =	sadd.s32 $0x200, s0  }
0x8f: {  	[tilespmem:s21], [sflag:$0x1] =	stream.indirect.gather [hbm4b:s4+s20], $0x80, s1, s20, $0xb8;
	[tilespmem:$0xBA00] =	vst v63  }
0x90: {  	p0 =	sne.s32 s0, $0x3E00;
	_ =	swait.ge [sflag:s22], $0x4000  }
.Ltmp4:
0x91: {  	[sflag:s22] =	ssyncset.done $0x0;
	(pc) =	sbr.rel @p0 .LBB2_10-.Ltmp4, $4  }
0x92: {  	[sflag:s22] =	ssyncadd.s32 $0xFFFFC000  }
0x93: {  	[hbm4b:s24+s2] =	stream.linear.scatter [tilespmem:s21], [sflag:$0x2], $0x4000, $0x38;
	[tilespmem:$0xBA00] =	vst v63  }
0x94: {  	s25 =	sshra.s32 s25, $0x2;
	_ =	swait.ge [sflag:s14], $0x4000  }
0x95: {  	s0 =	smov.u32 s26;
	s24 =	sadd.s32 $0x800, s24;
	[sflag:s14] =	ssyncset.done $0x0  }
0x96: {  	s0 =	sadd.s32 $0x6A00, s25;
	[sflag:s14] =	ssyncadd.s32 $0xFFFFC000  }
0x97: {  	[tilespmem:s21], [sflag:$0x1] =	stream.indirect.gather [hbm4b:s4+s20], $0x80, s0, s20, $0xb8;
	[tilespmem:$0xBA00] =	vst v63  }
0x98: {  	s23 =	sadd.s32 $0x1, s23;
	_ =	swait.ge [sflag:s22], $0x4000  }
0x99: {  	p0 =	sne.s32 s23, s11;
	[sflag:s22] =	ssyncset.done $0x0  }
.Ltmp5:
0x9a: {  	[sflag:s22] =	ssyncadd.s32 $0xFFFFC000;
	(pc) =	sbr.rel @p0 .LBB2_1-.Ltmp5, $4  }
0x9b: {  	[hbm4b:s24+s2] =	stream.linear.scatter [tilespmem:s21], [sflag:$0x2], $0x4000, $0x38;
	[tilespmem:$0xBA00] =	vst v63  }
0x9c: {  	_ =	swait.ge [sflag:s14], $0x4000  }
0x9d: {  	[sflag:s14] =	ssyncset.done $0x0  }
0x9e: {  	[sflag:s14] =	ssyncadd.s32 $0xFFFFC000  }
0x9f: {  	_ =	sfence.sel $0x180000  }
0xa0: {  	[bflag:$0x0] =	sbarrier.arrive $0xFFFF  }
0xa1: {  	_ =	strace $0x90000047  }
0xa2: {  	s0 =	stileid.u32;
	[bflag:$0x2] =	sbarrier.arrive $0xFFFF  }
0xa3: {  	p0 =	sne.s32 s0, $0x0;
	s0 =	rddreg [dreg:$0x2]  }
0xa4: {  	s0 =	sadd.s32 @!p0 $0x100000, s0  }
0xa5: {  	[sflag:s0] =	ssyncadd.tile.s32 @!p0 $0x1;
	_ =	shalt  }
.Lfunc_end2:
_tile_overlayer_lowered:
.L_overlay_start_2:
0xa6: {  	(tag) =	ssettag $0x2  }
0xa7: {  	s0 =	rddreg [dreg:$0x0];
	s2 =	stileid.u32  }
0xa8: {  	s1 =	rddreg [dreg:$0x1];
	p0 =	sne.s32 s2, $0x0  }
0xa9: {  	s3 =	rddreg [dreg:$0x2];
	[bflag:$0x3] =	sbarrier.arrive $0xFFFF;
	s2 =	simm.s32 @!p0 $0x1C02  }
0xaa: {  	[timem:s3], [sflag:s2] =	dma.local @!p0 [hbm:s0], s1  }
0xab: {  	s0 =	simm.s32 @!p0 $0x2  }
0xac: {  	_ =	swait.ge @!p0 [sflag:s0], s1  }
0xad: {  	s1 =	ssub.s32 @!p0 $0x0, s1;
	[sflag:s0] =	ssyncset.done @!p0 $0x0  }
0xae: {  	[sflag:s0] =	ssyncadd.s32 @!p0 s1  }
0xaf: {  	[bflag:$0x3] =	sbarrier.arrive $0xFFFF  }
0xb0: {  	_ =	shalt  }

</sc_bundles>
